<compile_context>
chip_gen: v7x
topology: tpu7x:2x2x1
jax: 0.10.2.dev20260603
libtpu: 0.0.44.dev20260713+nightly
codegen_flags: <defaults>
</compile_context>

<pallas_src>
import functools

import jax
import jax.numpy as jnp
from jax import lax
from jax.experimental import pallas as pl
from jax.experimental.pallas import tpu as pltpu
from jax.experimental.pallas import tpu_sc as plsc

NUM_LAYERS = 5
EMB = 81
D = 96
N = 50000
NG = 512
E = 800000
C = 128
U = 64
R = 784
N2 = U * R
E_PAD = 802816
NW = 32
EPT = E_PAD // NW
KD = 16
RS = 1.0 / (1.0 + 1e-5) ** 0.5

_MESH = plsc.VectorSubcoreMesh(
    core_axis_name="c", subcore_axis_name="s", num_cores=2, num_subcores=16)
_SC_PARAMS = pltpu.CompilerParams(use_tc_tiling_on_sc=False,
                                 needs_layout_passes=False)


def _wid():
  return lax.axis_index("s") * 2 + lax.axis_index("c")


PB = 896
NCHP = EPT // PB


@functools.partial(
    pl.kernel,
    out_type=(jax.ShapeDtypeStruct((E_PAD,), jnp.int32),
              jax.ShapeDtypeStruct((E_PAD, KD), jnp.float32)),
    mesh=_MESH,
    compiler_params=_SC_PARAMS,
    scratch_types=[
        pltpu.VMEM((PB,), jnp.int32),
        pltpu.VMEM((PB,), jnp.int32),
        pltpu.VMEM((PB,), jnp.int32),
        pltpu.VMEM((PB,), jnp.int32),
        pltpu.VMEM((PB, KD), jnp.float32),
        pltpu.VMEM((PB, KD), jnp.float32),
        pltpu.SemaphoreType.DMA,
        pltpu.SemaphoreType.DMA,
        pltpu.SemaphoreType.DMA,
        pltpu.SemaphoreType.DMA,
        pltpu.SemaphoreType.DMA,
        pltpu.SemaphoreType.DMA,
    ],
)
def _prep(src_hbm, ea_hbm, order_hbm, srcs_out, eas_out,
          oidx0, oidx1, sv0, sv1, eav0, eav1, so0, so1, sg0, sg1, sw0, sw1):
  OIDX, SV, EAV = (oidx0, oidx1), (sv0, sv1), (eav0, eav1)
  SO, SGA, SW = (so0, so1), (sg0, sg1), (sw0, sw1)
  base = _wid() * EPT

  def cstart(i):
    return pl.multiple_of(base + i * PB, 8)

  def issue_oidx(i, b):
    pltpu.async_copy(order_hbm.at[pl.ds(cstart(i), PB)], OIDX[b], SO[b])

  def wait_oidx(i, b):
    pltpu.make_async_copy(order_hbm.at[pl.ds(cstart(i), PB)], OIDX[b],
                          SO[b]).wait()

  def fire_gathers(b):
    for hh in range(PB // 128):
      sl = pl.ds(hh * 128, 128)
      pltpu.async_copy(src_hbm.at[OIDX[b].at[sl]], SV[b].at[sl], SGA[b])
      pltpu.async_copy(ea_hbm.at[OIDX[b].at[sl]], EAV[b].at[sl], SGA[b])

  def drain_gathers(b):
    for hh in range(PB // 128):
      sl = pl.ds(hh * 128, 128)
      pltpu.make_async_copy(src_hbm.at[OIDX[b].at[sl]], SV[b].at[sl],
                            SGA[b]).wait()
      pltpu.make_async_copy(ea_hbm.at[OIDX[b].at[sl]], EAV[b].at[sl],
                            SGA[b]).wait()

  def issue_writes(i, b):
    pltpu.async_copy(SV[b], srcs_out.at[pl.ds(cstart(i), PB)], SW[b])
    pltpu.async_copy(EAV[b], eas_out.at[pl.ds(cstart(i), PB)], SW[b])

  def wait_writes(i, b):
    pltpu.make_async_copy(SV[b], srcs_out.at[pl.ds(cstart(i), PB)],
                          SW[b]).wait()
    pltpu.make_async_copy(EAV[b], eas_out.at[pl.ds(cstart(i), PB)],
                          SW[b]).wait()

  issue_oidx(0, 0)

  def step(i, carry):
    for t in range(2):
      ii = i * 2 + t

      @pl.when(ii + 1 < NCHP)
      def _():
        issue_oidx(ii + 1, (t + 1) % 2)

      @pl.when(ii < NCHP)
      def _():
        wait_oidx(ii, t)

      @pl.when(ii >= 2)
      def _():
        wait_writes(ii - 2, t)

      @pl.when(ii < NCHP)
      def _():
        fire_gathers(t)
        drain_gathers(t)
        issue_writes(ii, t)
    return carry

  lax.fori_loop(0, NCHP // 2, step, 0)
  wait_writes(NCHP - 2, 0)
  wait_writes(NCHP - 1, 1)


RP = R + 1
ZR = 157
CE = 128


@functools.partial(
    pl.kernel,
    out_type=jax.ShapeDtypeStruct((N2, D), jnp.float32),
    mesh=_MESH,
    compiler_params=_SC_PARAMS,
    scratch_types=[
        pltpu.VMEM_SHARED((16 * RP, D), jnp.float32),
        pltpu.VMEM((CE, D), jnp.float32),
        pltpu.VMEM((CE, D), jnp.float32),
        pltpu.VMEM((CE, D), jnp.float32),
        pltpu.VMEM((CE, D), jnp.float32),
        pltpu.VMEM((CE,), jnp.int32),
        pltpu.VMEM((CE,), jnp.int32),
        pltpu.VMEM((CE,), jnp.int32),
        pltpu.VMEM((CE,), jnp.int32),
        pltpu.VMEM((CE,), jnp.int32),
        pltpu.VMEM((2, 128), jnp.int32),
        pltpu.VMEM((2, 128), jnp.int32),
        pltpu.VMEM((U + 16,), jnp.int32),
        pltpu.VMEM((U + 16,), jnp.int32),
        pltpu.SemaphoreType.DMA,
        pltpu.SemaphoreType.DMA,
        pltpu.SemaphoreType.DMA,
        pltpu.SemaphoreType.DMA,
        pltpu.SemaphoreType.DMA,
        pltpu.SemaphoreType.DMA,
        pltpu.SemaphoreType.DMA,
        pltpu.SemaphoreType.DMA,
        pltpu.SemaphoreType.DMA,
        pltpu.SemaphoreType.DMA,
        pltpu.SemaphoreType.DMA,
    ],
)
def _edge(hx, srcs, dsts, embs, es_hbm, ee_hbm, zero_hbm, aggr,
          shacc, rows0, rows1, emb0, emb1, dst0, dst1, idx0, idx1, idx2,
          scat0, scat1, es_v, ee_v,
          sg0, sg1, sd0, sd1, se0, se1, si0, si1, si2, ss0, ss1):
  ROWS, EMBB, DSTB = (rows0, rows1), (emb0, emb1), (dst0, dst1)
  IDXB, SCATB = (idx0, idx1, idx2), (scat0, scat1)
  SG, SD, SE, SI, SS = (sg0, sg1), (sd0, sd1), (se0, se1), (si0, si1, si2), (ss0, ss1)
  wid = _wid()
  sid = lax.axis_index("s")
  tile_base = sid * RP
  pltpu.sync_copy(es_hbm, es_v)
  pltpu.sync_copy(ee_hbm, ee_v)

  for k in range(U // NW):
    u = wid + NW * k
    node_start = u * R
    pltpu.sync_copy(zero_hbm, shacc.at[pl.ds(tile_base, RP)])

    es = es_v[pl.ds(u, 16)][0]
    ee = ee_v[pl.ds(u, 16)][0]
    e_lo = es & ~7
    n_ch = (ee - e_lo + (CE - 1)) >> 7

    def cstart(i):
      return pl.multiple_of(e_lo + i * CE, 8)

    def issue_idx(i, q):
      pltpu.async_copy(srcs.at[pl.ds(cstart(i), CE)], IDXB[q], SI[q])

    def wait_idx(i, q):
      pltpu.make_async_copy(srcs.at[pl.ds(cstart(i), CE)], IDXB[q],
                            SI[q]).wait()

    def issue_lin(i, b):
      pltpu.async_copy(dsts.at[pl.ds(cstart(i), CE)], DSTB[b], SD[b])
      pltpu.async_copy(embs.at[pl.ds(cstart(i), CE)], EMBB[b], SE[b])

    def issue_gather(b, q):
      for hh in range(CE // 128):
        pltpu.async_copy(hx.at[IDXB[q].at[pl.ds(hh * 128, 128)]],
                         ROWS[b].at[pl.ds(hh * 128, 128)], SG[b])

    def wait_chunk(i, b):
      for hh in range(CE // 128):
        pltpu.make_async_copy(hx.at[IDXB[0].at[pl.ds(0, 128)]],
                              ROWS[b].at[pl.ds(hh * 128, 128)], SG[b]).wait()
      pltpu.make_async_copy(dsts.at[pl.ds(cstart(i), CE)], DSTB[b],
                            SD[b]).wait()
      pltpu.make_async_copy(embs.at[pl.ds(cstart(i), CE)], EMBB[b],
                            SE[b]).wait()

    def issue_scat(b):
      for hh in range(CE // 128):
        pltpu.async_copy(ROWS[b].at[pl.ds(hh * 128, 128)],
                         shacc.at[SCATB[b].at[hh]], SS[b], add=True)

    def wait_scat(b):
      for hh in range(CE // 128):
        pltpu.make_async_copy(ROWS[b].at[pl.ds(hh * 128, 128)],
                              shacc.at[SCATB[b].at[hh]], SS[b]).wait()

    @pl.when(n_ch >= 1)
    def _():
      issue_idx(0, 0)

    @pl.when(n_ch >= 2)
    def _():
      issue_idx(1, 1)

    @pl.when(n_ch >= 1)
    def _():
      wait_idx(0, 0)
      issue_gather(0, 0)
      issue_lin(0, 0)

    def outer(gg, carry):
      ibase = gg * 6
      for t in range(6):
        i = ibase + t
        b = t % 2
        b1 = (t + 1) % 2
        q1 = (t + 1) % 3
        q2 = (t + 2) % 3

        @pl.when(jnp.logical_and(i >= 1, i - 1 < n_ch))
        def _():
          wait_scat(b1)

        @pl.when(i + 1 < n_ch)
        def _():
          wait_idx(i + 1, q1)
          issue_gather(b1, q1)
          issue_lin(i + 1, b1)

        @pl.when(i + 2 < n_ch)
        def _():
          issue_idx(i + 2, q2)

        @pl.when(i < n_ch)
        def _():
          wait_chunk(i, b)
          for hh in range(CE // 128):
            def gidx(g, c2, hh=hh):
              dvec = DSTB[b][pl.ds(hh * 128 + g * 16, 16)] - node_start
              okv = jnp.logical_and(dvec >= 0, dvec < R)
              SCATB[b][hh, pl.ds(g * 16, 16)] = (
                  jnp.where(okv, dvec, R) + tile_base)
              return c2
            lax.fori_loop(0, 8, gidx, 0)

          def emsg(e, c2):
            for j in range(D // 16):
              sl = pl.ds(16 * j, 16)
              ROWS[b][e, sl] = jnp.maximum(ROWS[b][e, sl] + EMBB[b][e, sl],
                                           0.0)
            return c2

          lax.fori_loop(0, CE, emsg, 0)
          issue_scat(b)
      return carry

    lax.fori_loop(0, (n_ch + 1 + 5) // 6, outer, 0)
    pltpu.sync_copy(shacc.at[pl.ds(tile_base, R)],
                    aggr.at[pl.ds(pl.multiple_of(node_start, 8), R)])


@functools.partial(
    pl.kernel,
    out_type=jax.ShapeDtypeStruct((NG,), jnp.float32),
    mesh=_MESH,
    compiler_params=_SC_PARAMS,
    scratch_types=[
        pltpu.VMEM_SHARED((16 * 17, D), jnp.float32),
        pltpu.VMEM((17, D), jnp.float32),
        pltpu.VMEM((C, D), jnp.float32),
        pltpu.VMEM((D,), jnp.float32),
        pltpu.VMEM((16,), jnp.float32),
        pltpu.VMEM((C,), jnp.int32),
        pltpu.VMEM((C,), jnp.int32),
        pltpu.VMEM((NW + 16,), jnp.int32),
        pltpu.VMEM((NW + 16,), jnp.int32),
        pltpu.VMEM((16,), jnp.float32),
        pltpu.SemaphoreType.DMA,
    ],
)
def _pool(hfin, batchp, ns_hbm, ne_hbm, wp_hbm, bp_hbm, out,
          shacc, accum, rows_v, wp_v, out_v, b_v, scat_v, ns_v, ne_v, bp_v,
          sem):
  wid = _wid()
  sid = lax.axis_index("s")
  tile_base = sid * 17
  pltpu.sync_copy(ns_hbm, ns_v)
  pltpu.sync_copy(ne_hbm, ne_v)
  pltpu.sync_copy(bp_hbm, bp_v)
  pltpu.sync_copy(wp_hbm, wp_v)
  g0 = wid * 16
  zero16 = jnp.zeros((16,), jnp.float32)

  def zrow(r, carry):
    for j in range(D // 16):
      accum[r, pl.ds(16 * j, 16)] = zero16
    return carry

  lax.fori_loop(0, 17, zrow, 0)
  pltpu.sync_copy(accum, shacc.at[pl.ds(tile_base, 17)])

  n_lo = ns_v[pl.ds(wid, 16)][0] & ~7
  n_ch = (ne_v[pl.ds(wid, 16)][0] - n_lo + (C - 1)) >> 7

  def chunk(c, carry):
    cs = pl.multiple_of(n_lo + c * C, 8)
    pltpu.sync_copy(hfin.at[pl.ds(cs, C)], rows_v)
    pltpu.sync_copy(batchp.at[pl.ds(cs, C)], b_v)

    def gidx(g, carry2):
      gvec = b_v[pl.ds(g * 16, 16)] - g0
      okv = jnp.logical_and(gvec >= 0, gvec < 16)
      scat_v[pl.ds(g * 16, 16)] = jnp.where(okv, gvec, 16) + tile_base
      return carry2

    lax.fori_loop(0, C // 16, gidx, 0)
    pltpu.sync_copy(rows_v, shacc.at[scat_v], add=True)
    return carry

  lax.fori_loop(0, n_ch, chunk, 0)
  pltpu.sync_copy(shacc.at[pl.ds(tile_base, 17)], accum)

  lane = lax.iota(jnp.int32, 16)
  z = bp_v[...]
  for g in range(16):
    acc = jnp.zeros((16,), jnp.float32)
    for j in range(D // 16):
      sl = pl.ds(16 * j, 16)
      acc = acc + accum[g, sl] * wp_v[sl]
    tot = jnp.sum(acc)
    z = jnp.where(lane == g, z + tot, z)
  z = jnp.minimum(jnp.maximum(z, 0.0), 50.0)
  out_v[...] = z
  pltpu.sync_copy(out_v, out.at[pl.ds(pl.multiple_of(g0, 8), 16)])


_EB = 8192


def _emb_body(ea_ref, w_ref, b_ref, out_ref):
  out_ref[...] = (
      jnp.dot(ea_ref[...], w_ref[...], preferred_element_type=jnp.float32)
      + b_ref[0:1, :])


def _emb_call(ea_s, wep, bep):
  return pl.pallas_call(
      _emb_body,
      grid=(E_PAD // _EB,),
      in_specs=[
          pl.BlockSpec((_EB, KD), lambda i: (i, 0)),
          pl.BlockSpec((KD, D), lambda i: (0, 0)),
          pl.BlockSpec((8, D), lambda i: (0, 0)),
      ],
      out_specs=pl.BlockSpec((_EB, D), lambda i: (i, 0)),
      out_shape=jax.ShapeDtypeStruct((E_PAD, D), jnp.float32),
  )(ea_s, wep, bep)


def _p1_body(h_ref, a_ref, w1_ref, p_ref, t1_ref, s_ref):
  u = h_ref[...] * p_ref[4:5, :] + a_ref[...]
  t1 = jnp.dot(u, w1_ref[...], preferred_element_type=jnp.float32) + p_ref[0:1, :]
  t1_ref[...] = t1
  s1 = jnp.sum(t1, axis=0)
  s2 = jnp.sum(t1 * t1, axis=0)
  z = jnp.zeros((6, D), jnp.float32)
  s_ref[...] = jnp.concatenate([s1[None], s2[None], z], axis=0)[None]


def _p1_call(h, aggr, w1p, p):
  return pl.pallas_call(
      _p1_body,
      grid=(U,),
      in_specs=[
          pl.BlockSpec((R, D), lambda i: (i, 0)),
          pl.BlockSpec((R, D), lambda i: (i, 0)),
          pl.BlockSpec((D, D), lambda i: (0, 0)),
          pl.BlockSpec((8, D), lambda i: (0, 0)),
      ],
      out_specs=[
          pl.BlockSpec((R, D), lambda i: (i, 0)),
          pl.BlockSpec((1, 8, D), lambda i: (i, 0, 0)),
      ],
      out_shape=[
          jax.ShapeDtypeStruct((N2, D), jnp.float32),
          jax.ShapeDtypeStruct((U, 8, D), jnp.float32),
      ],
  )(h, aggr, w1p, p)


def _p2_body(last, t1_ref, h_ref, s_ref, w2_ref, p_ref, out_ref):
  i = pl.program_id(0)
  b1 = p_ref[0:1, :]
  s = s_ref[...]
  s1 = jnp.sum(s[:, 0, :], axis=0, keepdims=True) - float(N2 - N) * b1
  s2 = jnp.sum(s[:, 1, :], axis=0, keepdims=True) - float(N2 - N) * b1 * b1
  mu = s1 / float(N)
  var = s2 / float(N) - mu * mu
  inv = lax.rsqrt(var + 1e-5)
  t = (t1_ref[...] - mu) * inv * p_ref[1:2, :] + p_ref[2:3, :]
  t = jnp.maximum(t, 0.0)
  t = jnp.dot(t, w2_ref[...], preferred_element_type=jnp.float32) + p_ref[3:4, :]
  t = jnp.maximum(t, 0.0) * RS
  if not last:
    t = jnp.maximum(t, 0.0)
  hn = t + h_ref[...]
  rid = i * R + lax.broadcasted_iota(jnp.int32, (R, D), 0)
  out_ref[...] = jnp.where(rid < N, hn, 0.0)


def _p2_call(t1, h, s, w2p, p, last):
  return pl.pallas_call(
      functools.partial(_p2_body, last),
      grid=(U,),
      in_specs=[
          pl.BlockSpec((R, D), lambda i: (i, 0)),
          pl.BlockSpec((R, D), lambda i: (i, 0)),
          pl.BlockSpec((U, 8, D), lambda i: (0, 0, 0)),
          pl.BlockSpec((D, D), lambda i: (0, 0)),
          pl.BlockSpec((8, D), lambda i: (0, 0)),
      ],
      out_specs=pl.BlockSpec((R, D), lambda i: (i, 0)),
      out_shape=jax.ShapeDtypeStruct((N2, D), jnp.float32),
  )(t1, h, s, w2p, p)


def kernel(x, edge_index, edge_attr, batch, We, be, W1, b1, g1, bt1,
           W2, b2, eps, Wp, bp):
  f32 = jnp.float32
  src = edge_index[0].astype(jnp.int32)
  dst = edge_index[1].astype(jnp.int32)

  dst_s, order = lax.sort_key_val(dst, jnp.arange(E, dtype=jnp.int32))
  dst_sp = jnp.concatenate([dst_s, jnp.full((E_PAD - E,), N2, jnp.int32)])
  order_p = jnp.concatenate([order, jnp.zeros((E_PAD - E,), jnp.int32)])
  bounds = jnp.arange(U + 1, dtype=jnp.int32) * R
  ss = jnp.searchsorted(dst_s, bounds, side="left").astype(jnp.int32)
  es = jnp.pad(ss[:U], (0, 16))
  ee = jnp.pad(ss[1:], (0, 16))

  ea16 = jnp.pad(edge_attr.astype(f32), ((0, 0), (0, KD - 6)))
  src_s, ea_s = _prep(src, ea16, order_p)

  return (src_s[:NG] + ea_s[:NG, 0].astype(jnp.int32)).astype(f32).reshape(NG, 1)
  Wep = jnp.zeros((NUM_LAYERS, KD, D), f32).at[:, :6, :EMB].set(We)
  bep = jnp.zeros((NUM_LAYERS, 8, D), f32).at[:, 0, :EMB].set(be)
  W1p = jnp.zeros((NUM_LAYERS, D, D), f32).at[:, :EMB, :EMB].set(W1)
  W2p = jnp.zeros((NUM_LAYERS, D, D), f32).at[:, :EMB, :EMB].set(W2)
  P = jnp.zeros((NUM_LAYERS, 8, D), f32)
  P = P.at[:, 0, :EMB].set(b1)
  P = P.at[:, 1, :EMB].set(g1)
  P = P.at[:, 2, :EMB].set(bt1)
  P = P.at[:, 3, :EMB].set(b2)
  P = P.at[:, 4, :].set((1.0 + eps)[:, None])

  h = jnp.pad(x.astype(f32), ((0, N2 - N), (0, D - EMB)))
  zrows = jnp.zeros((RP, D), f32)

  embs_all = [_emb_call(ea_s, Wep[l], bep[l]) for l in range(NUM_LAYERS)]
  for l in range(NUM_LAYERS):
    aggr = _edge(h, src_s, dst_sp, embs_all[l], es, ee, zrows)
    t1, s = _p1_call(h, aggr, W1p[l], P[l])
    h = _p2_call(t1, h, s, W2p[l], P[l], l == NUM_LAYERS - 1)

  batchp = jnp.concatenate([batch.astype(jnp.int32),
                            jnp.full((N2 - N,), NG, jnp.int32)])
  gb = jnp.arange(NW + 1, dtype=jnp.int32) * 16
  nss = jnp.searchsorted(batch.astype(jnp.int32), gb, side="left").astype(jnp.int32)
  wpp = jnp.zeros((D,), f32).at[:EMB].set(Wp[:, 0])
  bp16 = jnp.broadcast_to(bp.astype(f32), (16,))
  out = _pool(h, batchp, jnp.pad(nss[:NW], (0, 16)), jnp.pad(nss[1:], (0, 16)),
              wpp, bp16)
  return out.reshape(NG, 1)

# --- scband reference (transcript-rebuilt; emitter-appended) ---
"""Pipeline reference for scband-gingraph-pooling-31636729103197 (READ-ONLY COPY).

The authoritative reference and input builder live on the scoring server;
editing this copy changes nothing except your own understanding.
"""

import jax, jax.numpy as jnp
import numpy as np

NUM_LAYERS = 5
EMB = 81
EDGE_DIM = 6
N_NODES = 50000
N_EDGES = 800000
N_GRAPHS = 512


def setup_inputs(seed: int = 0) -> dict:
    key = jax.random.key(seed)
    ks = jax.random.split(key, 12)
    x = jax.random.randint(ks[0], (N_NODES, EMB), 0, 10)
    edge_index = jax.random.randint(ks[1], (2, N_EDGES), 0, N_NODES)
    edge_attr = jax.random.normal(ks[2], (N_EDGES, EDGE_DIM), dtype=jnp.float32)
    batch = jnp.sort(jax.random.randint(ks[3], (N_NODES,), 0, N_GRAPHS))
    We = jax.random.normal(ks[4], (NUM_LAYERS, EDGE_DIM, EMB), dtype=jnp.float32) * 0.1
    be = jnp.zeros((NUM_LAYERS, EMB), dtype=jnp.float32)
    W1 = jax.random.normal(ks[5], (NUM_LAYERS, EMB, EMB), dtype=jnp.float32) * 0.1
    b1 = jnp.zeros((NUM_LAYERS, EMB), dtype=jnp.float32)
    g1 = jnp.ones((NUM_LAYERS, EMB), dtype=jnp.float32)
    bt1 = jnp.zeros((NUM_LAYERS, EMB), dtype=jnp.float32)
    W2 = jax.random.normal(ks[6], (NUM_LAYERS, EMB, EMB), dtype=jnp.float32) * 0.1
    b2 = jnp.zeros((NUM_LAYERS, EMB), dtype=jnp.float32)
    eps = jnp.zeros((NUM_LAYERS,), dtype=jnp.float32)
    Wp = jax.random.normal(ks[7], (EMB, 1), dtype=jnp.float32) * 0.1
    bp = jnp.zeros((1,), dtype=jnp.float32)
    return {"x": x, "edge_index": edge_index, "edge_attr": edge_attr, "batch": batch,
            "We": We, "be": be, "W1": W1, "b1": b1, "g1": g1, "bt1": bt1,
            "W2": W2, "b2": b2, "eps": eps, "Wp": Wp, "bp": bp}


def reference(x, edge_index, edge_attr, batch, We, be, W1, b1, g1, bt1, W2, b2, eps, Wp, bp):
    # GINGraphPooling in eval mode: dropout = identity, outer BatchNorm uses
    # running stats (init mean=0, var=1, affine identity) -> scale 1/sqrt(1+1e-5).
    # Inner mlp BatchNorm has track_running_stats=False -> always batch statistics.
    N = x.shape[0]
    src = edge_index[0]
    dst = edge_index[1]
    h = x.astype(jnp.float32)
    h_list = [h]
    for l in range(NUM_LAYERS):
        # GINEConv message: relu(x_j + lin(edge_attr))
        edge_emb = edge_attr @ We[l] + be[l]
        msg = jax.nn.relu(h[src] + edge_emb)
        aggr = jax.ops.segment_sum(msg, dst, num_segments=N)
        t = (1.0 + eps[l]) * h + aggr
        # mlp: Linear -> BatchNorm(batch stats) -> ReLU -> Linear -> ReLU
        t = t @ W1[l] + b1[l]
        mu = jnp.mean(t, axis=0)
        var = jnp.var(t, axis=0)
        t = (t - mu) / jnp.sqrt(var + 1e-5) * g1[l] + bt1[l]
        t = jax.nn.relu(t)
        t = t @ W2[l] + b2[l]
        t = jax.nn.relu(t)
        # outer BatchNorm1d in eval mode with initialized running stats
        t = t / jnp.sqrt(1.0 + 1e-5)
        if l != NUM_LAYERS - 1:
            t = jax.nn.relu(t)  # dropout is identity in eval
        # residual
        h = t + h_list[l]
        h_list.append(h)
    node_rep = h_list[-1]  # JK='last'
    h_graph = jax.ops.segment_sum(node_rep, batch, num_segments=N_GRAPHS)
    out = h_graph @ Wp + bp
    return jnp.clip(out, 0.0, 50.0)

if __name__ == "__main__":
    import jax
    _d = setup_inputs()
    print(jax.jit(kernel)(*tuple(_d.values())))

</pallas_src>

<mosaic_0001>
#map = affine_map<(d0, d1) -> (0)>
#map1 = affine_map<(d0, d1) -> (0, 0)>
module attributes {stable_mosaic.version = 14 : i64} {
  func.func @_prep(%arg0: i32, %arg1: i32, %arg2: memref<800000xi32, #tpu.memory_space<hbm>>, %arg3: memref<800000x16xf32, #tpu.memory_space<hbm>>, %arg4: memref<802816xi32, #tpu.memory_space<hbm>>, %arg5: memref<802816xi32, #tpu.memory_space<hbm>>, %arg6: memref<802816x16xf32, #tpu.memory_space<hbm>>, %arg7: memref<896xi32, #tpu.memory_space<vmem>>, %arg8: memref<896xi32, #tpu.memory_space<vmem>>, %arg9: memref<896xi32, #tpu.memory_space<vmem>>, %arg10: memref<896xi32, #tpu.memory_space<vmem>>, %arg11: memref<896x16xf32, #tpu.memory_space<vmem>>, %arg12: memref<896x16xf32, #tpu.memory_space<vmem>>, %arg13: memref<!tpu.dma_semaphore, #tpu.memory_space<semaphore_mem>>, %arg14: memref<!tpu.dma_semaphore, #tpu.memory_space<semaphore_mem>>, %arg15: memref<!tpu.dma_semaphore, #tpu.memory_space<semaphore_mem>>, %arg16: memref<!tpu.dma_semaphore, #tpu.memory_space<semaphore_mem>>, %arg17: memref<!tpu.dma_semaphore, #tpu.memory_space<semaphore_mem>>, %arg18: memref<!tpu.dma_semaphore, #tpu.memory_space<semaphore_mem>>) attributes {dimension_semantics = [#tpu.dimension_semantics<core_parallel>, #tpu.dimension_semantics<subcore_parallel>], iteration_bounds = array<i64: 2, 16>, scalar_prefetch = 0 : i64, scratch_operands = 12 : i64, tpu.core_type = #tpu.core_type<sc_vector_subcore>, window_params = [{transform_indices = #map}, {transform_indices = #map1}, {transform_indices = #map}, {transform_indices = #map}, {transform_indices = #map1}]} {
    %mul3A = arith.constant 2 : i32
    %mul3A_0 = arith.muli %arg1, %mul3A : i32
    %add3A = arith.addi %mul3A_0, %arg0 : i32
    %mul3A_1 = arith.constant 25088 : i32
    %mul3A_2 = arith.muli %add3A, %mul3A_1 : i32
    %add3A_3 = arith.constant 0 : i32
    %add3A_4 = arith.addi %mul3A_2, %add3A_3 : i32
    %multiple_of3A = tpu.assume_multiple %add3A_4, 8 : i32
    %dma_start3A = tpu.memref_slice %arg4[%multiple_of3A] : memref<802816xi32, #tpu.memory_space<hbm>> -> memref<896xi32, #tpu.memory_space<hbm>>
    %dma_start3A_5 = tpu.memref_slice %arg4[%multiple_of3A] : memref<802816xi32, #tpu.memory_space<hbm>> -> memref<896xi32, #tpu.memory_space<hbm>>
    tpu.enqueue_dma source(%dma_start3A_5 : memref<896xi32, #tpu.memory_space<hbm>>) target(%arg7 : memref<896xi32, #tpu.memory_space<vmem>>) target_semaphore(%arg13 : memref<!tpu.dma_semaphore, #tpu.memory_space<semaphore_mem>>)
    %scan3A = arith.constant 0 : i32
    %scan3A_6 = arith.constant 0 : i32
    %scan3A_7 = arith.constant 14 : i32
    %scan3A_8 = arith.addi %scan3A_6, %scan3A_7 : i32
    %scan3A_9 = arith.constant 1 : i32
    scf.for %scan3A_34 = %scan3A_6 to %scan3A_8 step %scan3A_9  : i32 {
      %mul3A_35 = arith.constant 2 : i32
      %mul3A_36 = arith.muli %scan3A_34, %mul3A_35 : i32
      %add3A_37 = arith.constant 0 : i32
      %add3A_38 = arith.addi %mul3A_36, %add3A_37 : i32
      %add3A_39 = arith.constant 1 : i32
      %add3A_40 = arith.addi %add3A_38, %add3A_39 : i32
      %lt3A = arith.constant 28 : i32
      %lt3A_41 = arith.cmpi slt, %add3A_40, %lt3A : i32
      %convert_element_type3A = arith.extui %lt3A_41 : i1 to i32
      %cond3A = arith.constant 0 : i32
      %cond3A_42 = arith.cmpi ne, %convert_element_type3A, %cond3A : i32
      scf.if %cond3A_42 {
        %add3A_83 = arith.constant 1 : i32
        %add3A_84 = arith.addi %add3A_38, %add3A_83 : i32
        %mul3A_85 = arith.constant 896 : i32
        %mul3A_86 = arith.muli %add3A_84, %mul3A_85 : i32
        %add3A_87 = arith.addi %mul3A_2, %mul3A_86 : i32
        %multiple_of3A_88 = tpu.assume_multiple %add3A_87, 8 : i32
        %dma_start3A_89 = tpu.memref_slice %arg4[%multiple_of3A_88] : memref<802816xi32, #tpu.memory_space<hbm>> -> memref<896xi32, #tpu.memory_space<hbm>>
        %dma_start3A_90 = tpu.memref_slice %arg4[%multiple_of3A_88] : memref<802816xi32, #tpu.memory_space<hbm>> -> memref<896xi32, #tpu.memory_space<hbm>>
        tpu.enqueue_dma source(%dma_start3A_90 : memref<896xi32, #tpu.memory_space<hbm>>) target(%arg8 : memref<896xi32, #tpu.memory_space<vmem>>) target_semaphore(%arg14 : memref<!tpu.dma_semaphore, #tpu.memory_space<semaphore_mem>>)
      } else {
      }
      %lt3A_43 = arith.constant 28 : i32
      %lt3A_44 = arith.cmpi slt, %add3A_38, %lt3A_43 : i32
      %convert_element_type3A_45 = arith.extui %lt3A_44 : i1 to i32
      %cond3A_46 = arith.constant 0 : i32
      %cond3A_47 = arith.cmpi ne, %convert_element_type3A_45, %cond3A_46 : i32
      scf.if %cond3A_47 {
        %mul3A_83 = arith.constant 896 : i32
        %mul3A_84 = arith.muli %add3A_38, %mul3A_83 : i32
        %add3A_85 = arith.addi %mul3A_2, %mul3A_84 : i32
        %multiple_of3A_86 = tpu.assume_multiple %add3A_85, 8 : i32
        %dma_wait3A_87 = tpu.memref_slice %arg4[%multiple_of3A_86] : memref<802816xi32, #tpu.memory_space<hbm>> -> memref<896xi32, #tpu.memory_space<hbm>>
        %dma_wait3A_88 = tpu.memref_slice %arg4[%multiple_of3A_86] : memref<802816xi32, #tpu.memory_space<hbm>> -> memref<896xi32, #tpu.memory_space<hbm>>
        tpu.wait_dma2 semaphore(%arg13 : memref<!tpu.dma_semaphore, #tpu.memory_space<semaphore_mem>>) src(%dma_wait3A_88 : memref<896xi32, #tpu.memory_space<hbm>>) dst(%arg7 : memref<896xi32, #tpu.memory_space<vmem>>)
      } else {
      }
      %ge3A = arith.constant 2 : i32
      %ge3A_48 = arith.cmpi sge, %add3A_38, %ge3A : i32
      %convert_element_type3A_49 = arith.extui %ge3A_48 : i1 to i32
      %cond3A_50 = arith.constant 0 : i32
      %cond3A_51 = arith.cmpi ne, %convert_element_type3A_49, %cond3A_50 : i32
      scf.if %cond3A_51 {
        %sub3A = arith.constant 2 : i32
        %sub3A_83 = arith.subi %add3A_38, %sub3A : i32
        %mul3A_84 = arith.constant 896 : i32
        %mul3A_85 = arith.muli %sub3A_83, %mul3A_84 : i32
        %add3A_86 = arith.addi %mul3A_2, %mul3A_85 : i32
        %multiple_of3A_87 = tpu.assume_multiple %add3A_86, 8 : i32
        %dma_wait3A_88 = tpu.memref_slice %arg5[%multiple_of3A_87] : memref<802816xi32, #tpu.memory_space<hbm>> -> memref<896xi32, #tpu.memory_space<hbm>>
        %dma_wait3A_89 = tpu.memref_slice %arg5[%multiple_of3A_87] : memref<802816xi32, #tpu.memory_space<hbm>> -> memref<896xi32, #tpu.memory_space<hbm>>
        tpu.wait_dma2 semaphore(%arg17 : memref<!tpu.dma_semaphore, #tpu.memory_space<semaphore_mem>>) src(%arg9 : memref<896xi32, #tpu.memory_space<vmem>>) dst(%dma_wait3A_89 : memref<896xi32, #tpu.memory_space<hbm>>)
        %mul3A_90 = arith.constant 896 : i32
        %mul3A_91 = arith.muli %sub3A_83, %mul3A_90 : i32
        %add3A_92 = arith.addi %mul3A_2, %mul3A_91 : i32
        %multiple_of3A_93 = tpu.assume_multiple %add3A_92, 8 : i32
        %dma_wait3A_94 = arith.constant 0 : i32
        %dma_wait3A_95 = tpu.memref_slice %arg6[%multiple_of3A_93, %dma_wait3A_94] : memref<802816x16xf32, #tpu.memory_space<hbm>> -> memref<896x16xf32, #tpu.memory_space<hbm>>
        %dma_wait3A_96 = arith.constant 0 : i32
        %dma_wait3A_97 = tpu.memref_slice %arg6[%multiple_of3A_93, %dma_wait3A_96] : memref<802816x16xf32, #tpu.memory_space<hbm>> -> memref<896x16xf32, #tpu.memory_space<hbm>>
        tpu.wait_dma2 semaphore(%arg17 : memref<!tpu.dma_semaphore, #tpu.memory_space<semaphore_mem>>) src(%arg11 : memref<896x16xf32, #tpu.memory_space<vmem>>) dst(%dma_wait3A_97 : memref<896x16xf32, #tpu.memory_space<hbm>>)
      } else {
      }
      %lt3A_52 = arith.constant 28 : i32
      %lt3A_53 = arith.cmpi slt, %add3A_38, %lt3A_52 : i32
      %convert_element_type3A_54 = arith.extui %lt3A_53 : i1 to i32
      %cond3A_55 = arith.constant 0 : i32
      %cond3A_56 = arith.cmpi ne, %convert_element_type3A_54, %cond3A_55 : i32
      scf.if %cond3A_56 {
        %dma_start3A_83 = arith.constant 0 : i32
        %dma_start3A_84 = tpu.memref_slice %arg9[%dma_start3A_83] : memref<896xi32, #tpu.memory_space<vmem>> -> memref<128xi32, #tpu.memory_space<vmem>>
        %dma_start3A_85 = arith.constant 0 : i32
        %dma_start3A_86 = tpu.memref_slice %arg7[%dma_start3A_85] : memref<896xi32, #tpu.memory_space<vmem>> -> memref<128xi32, #tpu.memory_space<vmem>>
        %dma_start3A_87 = arith.constant 0 : i32
        %dma_start3A_88 = tpu.memref_slice %arg2[%dma_start3A_87] : memref<800000xi32, #tpu.memory_space<hbm>> -> memref<800000xi32, #tpu.memory_space<hbm>>
        tpu.enqueue_indirect_dma source(%dma_start3A_88 : memref<800000xi32, #tpu.memory_space<hbm>>) target(%dma_start3A_84 : memref<128xi32, #tpu.memory_space<vmem>>) offsets(%dma_start3A_86 : memref<128xi32, #tpu.memory_space<vmem>>) semaphore(%arg15 : memref<!tpu.dma_semaphore, #tpu.memory_space<semaphore_mem>>)
        %dma_start3A_89 = arith.constant 0 : i32
        %dma_start3A_90 = arith.constant 0 : i32
        %dma_start3A_91 = tpu.memref_slice %arg11[%dma_start3A_89, %dma_start3A_90] : memref<896x16xf32, #tpu.memory_space<vmem>> -> memref<128x16xf32, #tpu.memory_space<vmem>>
        %dma_start3A_92 = arith.constant 0 : i32
        %dma_start3A_93 = tpu.memref_slice %arg7[%dma_start3A_92] : memref<896xi32, #tpu.memory_space<vmem>> -> memref<128xi32, #tpu.memory_space<vmem>>
        %dma_start3A_94 = arith.constant 0 : i32
        %dma_start3A_95 = arith.constant 0 : i32
        %dma_start3A_96 = tpu.memref_slice %arg3[%dma_start3A_94, %dma_start3A_95] : memref<800000x16xf32, #tpu.memory_space<hbm>> -> memref<800000x16xf32, #tpu.memory_space<hbm>>
        tpu.enqueue_indirect_dma source(%dma_start3A_96 : memref<800000x16xf32, #tpu.memory_space<hbm>>) target(%dma_start3A_91 : memref<128x16xf32, #tpu.memory_space<vmem>>) offsets(%dma_start3A_93 : memref<128xi32, #tpu.memory_space<vmem>>) semaphore(%arg15 : memref<!tpu.dma_semaphore, #tpu.memory_space<semaphore_mem>>)
        %dma_start3A_97 = arith.constant 128 : i32
        %dma_start3A_98 = tpu.memref_slice %arg9[%dma_start3A_97] : memref<896xi32, #tpu.memory_space<vmem>> -> memref<128xi32, #tpu.memory_space<vmem>>
        %dma_start3A_99 = arith.constant 128 : i32
        %dma_start3A_100 = tpu.memref_slice %arg7[%dma_start3A_99] : memref<896xi32, #tpu.memory_space<vmem>> -> memref<128xi32, #tpu.memory_space<vmem>>
        %dma_start3A_101 = arith.constant 0 : i32
        %dma_start3A_102 = tpu.memref_slice %arg2[%dma_start3A_101] : memref<800000xi32, #tpu.memory_space<hbm>> -> memref<800000xi32, #tpu.memory_space<hbm>>
        tpu.enqueue_indirect_dma source(%dma_start3A_102 : memref<800000xi32, #tpu.memory_space<hbm>>) target(%dma_start3A_98 : memref<128xi32, #tpu.memory_space<vmem>>) offsets(%dma_start3A_100 : memref<128xi32, #tpu.memory_space<vmem>>) semaphore(%arg15 : memref<!tpu.dma_semaphore, #tpu.memory_space<semaphore_mem>>)
        %dma_start3A_103 = arith.constant 128 : i32
        %dma_start3A_104 = arith.constant 0 : i32
        %dma_start3A_105 = tpu.memref_slice %arg11[%dma_start3A_103, %dma_start3A_104] : memref<896x16xf32, #tpu.memory_space<vmem>> -> memref<128x16xf32, #tpu.memory_space<vmem>>
        %dma_start3A_106 = arith.constant 128 : i32
        %dma_start3A_107 = tpu.memref_slice %arg7[%dma_start3A_106] : memref<896xi32, #tpu.memory_space<vmem>> -> memref<128xi32, #tpu.memory_space<vmem>>
        %dma_start3A_108 = arith.constant 0 : i32
        %dma_start3A_109 = arith.constant 0 : i32
        %dma_start3A_110 = tpu.memref_slice %arg3[%dma_start3A_108, %dma_start3A_109] : memref<800000x16xf32, #tpu.memory_space<hbm>> -> memref<800000x16xf32, #tpu.memory_space<hbm>>
        tpu.enqueue_indirect_dma source(%dma_start3A_110 : memref<800000x16xf32, #tpu.memory_space<hbm>>) target(%dma_start3A_105 : memref<128x16xf32, #tpu.memory_space<vmem>>) offsets(%dma_start3A_107 : memref<128xi32, #tpu.memory_space<vmem>>) semaphore(%arg15 : memref<!tpu.dma_semaphore, #tpu.memory_space<semaphore_mem>>)
        %dma_start3A_111 = arith.constant 256 : i32
        %dma_start3A_112 = tpu.memref_slice %arg9[%dma_start3A_111] : memref<896xi32, #tpu.memory_space<vmem>> -> memref<128xi32, #tpu.memory_space<vmem>>
        %dma_start3A_113 = arith.constant 256 : i32
        %dma_start3A_114 = tpu.memref_slice %arg7[%dma_start3A_113] : memref<896xi32, #tpu.memory_space<vmem>> -> memref<128xi32, #tpu.memory_space<vmem>>
        %dma_start3A_115 = arith.constant 0 : i32
        %dma_start3A_116 = tpu.memref_slice %arg2[%dma_start3A_115] : memref<800000xi32, #tpu.memory_space<hbm>> -> memref<800000xi32, #tpu.memory_space<hbm>>
        tpu.enqueue_indirect_dma source(%dma_start3A_116 : memref<800000xi32, #tpu.memory_space<hbm>>) target(%dma_start3A_112 : memref<128xi32, #tpu.memory_space<vmem>>) offsets(%dma_start3A_114 : memref<128xi32, #tpu.memory_space<vmem>>) semaphore(%arg15 : memref<!tpu.dma_semaphore, #tpu.memory_space<semaphore_mem>>)
        %dma_start3A_117 = arith.constant 256 : i32
        %dma_start3A_118 = arith.constant 0 : i32
        %dma_start3A_119 = tpu.memref_slice %arg11[%dma_start3A_117, %dma_start3A_118] : memref<896x16xf32, #tpu.memory_space<vmem>> -> memref<128x16xf32, #tpu.memory_space<vmem>>
        %dma_start3A_120 = arith.constant 256 : i32
        %dma_start3A_121 = tpu.memref_slice %arg7[%dma_start3A_120] : memref<896xi32, #tpu.memory_space<vmem>> -> memref<128xi32, #tpu.memory_space<vmem>>
        %dma_start3A_122 = arith.constant 0 : i32
        %dma_start3A_123 = arith.constant 0 : i32
        %dma_start3A_124 = tpu.memref_slice %arg3[%dma_start3A_122, %dma_start3A_123] : memref<800000x16xf32, #tpu.memory_space<hbm>> -> memref<800000x16xf32, #tpu.memory_space<hbm>>
        tpu.enqueue_indirect_dma source(%dma_start3A_124 : memref<800000x16xf32, #tpu.memory_space<hbm>>) target(%dma_start3A_119 : memref<128x16xf32, #tpu.memory_space<vmem>>) offsets(%dma_start3A_121 : memref<128xi32, #tpu.memory_space<vmem>>) semaphore(%arg15 : memref<!tpu.dma_semaphore, #tpu.memory_space<semaphore_mem>>)
        %dma_start3A_125 = arith.constant 384 : i32
        %dma_start3A_126 = tpu.memref_slice %arg9[%dma_start3A_125] : memref<896xi32, #tpu.memory_space<vmem>> -> memref<128xi32, #tpu.memory_space<vmem>>
        %dma_start3A_127 = arith.constant 384 : i32
        %dma_start3A_128 = tpu.memref_slice %arg7[%dma_start3A_127] : memref<896xi32, #tpu.memory_space<vmem>> -> memref<128xi32, #tpu.memory_space<vmem>>
        %dma_start3A_129 = arith.constant 0 : i32
        %dma_start3A_130 = tpu.memref_slice %arg2[%dma_start3A_129] : memref<800000xi32, #tpu.memory_space<hbm>> -> memref<800000xi32, #tpu.memory_space<hbm>>
        tpu.enqueue_indirect_dma source(%dma_start3A_130 : memref<800000xi32, #tpu.memory_space<hbm>>) target(%dma_start3A_126 : memref<128xi32, #tpu.memory_space<vmem>>) offsets(%dma_start3A_128 : memref<128xi32, #tpu.memory_space<vmem>>) semaphore(%arg15 : memref<!tpu.dma_semaphore, #tpu.memory_space<semaphore_mem>>)
        %dma_start3A_131 = arith.constant 384 : i32
        %dma_start3A_132 = arith.constant 0 : i32
        %dma_start3A_133 = tpu.memref_slice %arg11[%dma_start3A_131, %dma_start3A_132] : memref<896x16xf32, #tpu.memory_space<vmem>> -> memref<128x16xf32, #tpu.memory_space<vmem>>
        %dma_start3A_134 = arith.constant 384 : i32
        %dma_start3A_135 = tpu.memref_slice %arg7[%dma_start3A_134] : memref<896xi32, #tpu.memory_space<vmem>> -> memref<128xi32, #tpu.memory_space<vmem>>
        %dma_start3A_136 = arith.constant 0 : i32
        %dma_start3A_137 = arith.constant 0 : i32
        %dma_start3A_138 = tpu.memref_slice %arg3[%dma_start3A_136, %dma_start3A_137] : memref<800000x16xf32, #tpu.memory_space<hbm>> -> memref<800000x16xf32, #tpu.memory_space<hbm>>
        tpu.enqueue_indirect_dma source(%dma_start3A_138 : memref<800000x16xf32, #tpu.memory_space<hbm>>) target(%dma_start3A_133 : memref<128x16xf32, #tpu.memory_space<vmem>>) offsets(%dma_start3A_135 : memref<128xi32, #tpu.memory_space<vmem>>) semaphore(%arg15 : memref<!tpu.dma_semaphore, #tpu.memory_space<semaphore_mem>>)
        %dma_start3A_139 = arith.constant 512 : i32
        %dma_start3A_140 = tpu.memref_slice %arg9[%dma_start3A_139] : memref<896xi32, #tpu.memory_space<vmem>> -> memref<128xi32, #tpu.memory_space<vmem>>
        %dma_start3A_141 = arith.constant 512 : i32
        %dma_start3A_142 = tpu.memref_slice %arg7[%dma_start3A_141] : memref<896xi32, #tpu.memory_space<vmem>> -> memref<128xi32, #tpu.memory_space<vmem>>
        %dma_start3A_143 = arith.constant 0 : i32
        %dma_start3A_144 = tpu.memref_slice %arg2[%dma_start3A_143] : memref<800000xi32, #tpu.memory_space<hbm>> -> memref<800000xi32, #tpu.memory_space<hbm>>
        tpu.enqueue_indirect_dma source(%dma_start3A_144 : memref<800000xi32, #tpu.memory_space<hbm>>) target(%dma_start3A_140 : memref<128xi32, #tpu.memory_space<vmem>>) offsets(%dma_start3A_142 : memref<128xi32, #tpu.memory_space<vmem>>) semaphore(%arg15 : memref<!tpu.dma_semaphore, #tpu.memory_space<semaphore_mem>>)
        %dma_start3A_145 = arith.constant 512 : i32
        %dma_start3A_146 = arith.constant 0 : i32
        %dma_start3A_147 = tpu.memref_slice %arg11[%dma_start3A_145, %dma_start3A_146] : memref<896x16xf32, #tpu.memory_space<vmem>> -> memref<128x16xf32, #tpu.memory_space<vmem>>
        %dma_start3A_148 = arith.constant 512 : i32
        %dma_start3A_149 = tpu.memref_slice %arg7[%dma_start3A_148] : memref<896xi32, #tpu.memory_space<vmem>> -> memref<128xi32, #tpu.memory_space<vmem>>
        %dma_start3A_150 = arith.constant 0 : i32
        %dma_start3A_151 = arith.constant 0 : i32
        %dma_start3A_152 = tpu.memref_slice %arg3[%dma_start3A_150, %dma_start3A_151] : memref<800000x16xf32, #tpu.memory_space<hbm>> -> memref<800000x16xf32, #tpu.memory_space<hbm>>
        tpu.enqueue_indirect_dma source(%dma_start3A_152 : memref<800000x16xf32, #tpu.memory_space<hbm>>) target(%dma_start3A_147 : memref<128x16xf32, #tpu.memory_space<vmem>>) offsets(%dma_start3A_149 : memref<128xi32, #tpu.memory_space<vmem>>) semaphore(%arg15 : memref<!tpu.dma_semaphore, #tpu.memory_space<semaphore_mem>>)
        %dma_start3A_153 = arith.constant 640 : i32
        %dma_start3A_154 = tpu.memref_slice %arg9[%dma_start3A_153] : memref<896xi32, #tpu.memory_space<vmem>> -> memref<128xi32, #tpu.memory_space<vmem>>
        %dma_start3A_155 = arith.constant 640 : i32
        %dma_start3A_156 = tpu.memref_slice %arg7[%dma_start3A_155] : memref<896xi32, #tpu.memory_space<vmem>> -> memref<128xi32, #tpu.memory_space<vmem>>
        %dma_start3A_157 = arith.constant 0 : i32
        %dma_start3A_158 = tpu.memref_slice %arg2[%dma_start3A_157] : memref<800000xi32, #tpu.memory_space<hbm>> -> memref<800000xi32, #tpu.memory_space<hbm>>
        tpu.enqueue_indirect_dma source(%dma_start3A_158 : memref<800000xi32, #tpu.memory_space<hbm>>) target(%dma_start3A_154 : memref<128xi32, #tpu.memory_space<vmem>>) offsets(%dma_start3A_156 : memref<128xi32, #tpu.memory_space<vmem>>) semaphore(%arg15 : memref<!tpu.dma_semaphore, #tpu.memory_space<semaphore_mem>>)
        %dma_start3A_159 = arith.constant 640 : i32
        %dma_start3A_160 = arith.constant 0 : i32
        %dma_start3A_161 = tpu.memref_slice %arg11[%dma_start3A_159, %dma_start3A_160] : memref<896x16xf32, #tpu.memory_space<vmem>> -> memref<128x16xf32, #tpu.memory_space<vmem>>
        %dma_start3A_162 = arith.constant 640 : i32
        %dma_start3A_163 = tpu.memref_slice %arg7[%dma_start3A_162] : memref<896xi32, #tpu.memory_space<vmem>> -> memref<128xi32, #tpu.memory_space<vmem>>
        %dma_start3A_164 = arith.constant 0 : i32
        %dma_start3A_165 = arith.constant 0 : i32
        %dma_start3A_166 = tpu.memref_slice %arg3[%dma_start3A_164, %dma_start3A_165] : memref<800000x16xf32, #tpu.memory_space<hbm>> -> memref<800000x16xf32, #tpu.memory_space<hbm>>
        tpu.enqueue_indirect_dma source(%dma_start3A_166 : memref<800000x16xf32, #tpu.memory_space<hbm>>) target(%dma_start3A_161 : memref<128x16xf32, #tpu.memory_space<vmem>>) offsets(%dma_start3A_163 : memref<128xi32, #tpu.memory_space<vmem>>) semaphore(%arg15 : memref<!tpu.dma_semaphore, #tpu.memory_space<semaphore_mem>>)
        %dma_start3A_167 = arith.constant 768 : i32
        %dma_start3A_168 = tpu.memref_slice %arg9[%dma_start3A_167] : memref<896xi32, #tpu.memory_space<vmem>> -> memref<128xi32, #tpu.memory_space<vmem>>
        %dma_start3A_169 = arith.constant 768 : i32
        %dma_start3A_170 = tpu.memref_slice %arg7[%dma_start3A_169] : memref<896xi32, #tpu.memory_space<vmem>> -> memref<128xi32, #tpu.memory_space<vmem>>
        %dma_start3A_171 = arith.constant 0 : i32
        %dma_start3A_172 = tpu.memref_slice %arg2[%dma_start3A_171] : memref<800000xi32, #tpu.memory_space<hbm>> -> memref<800000xi32, #tpu.memory_space<hbm>>
        tpu.enqueue_indirect_dma source(%dma_start3A_172 : memref<800000xi32, #tpu.memory_space<hbm>>) target(%dma_start3A_168 : memref<128xi32, #tpu.memory_space<vmem>>) offsets(%dma_start3A_170 : memref<128xi32, #tpu.memory_space<vmem>>) semaphore(%arg15 : memref<!tpu.dma_semaphore, #tpu.memory_space<semaphore_mem>>)
        %dma_start3A_173 = arith.constant 768 : i32
        %dma_start3A_174 = arith.constant 0 : i32
        %dma_start3A_175 = tpu.memref_slice %arg11[%dma_start3A_173, %dma_start3A_174] : memref<896x16xf32, #tpu.memory_space<vmem>> -> memref<128x16xf32, #tpu.memory_space<vmem>>
        %dma_start3A_176 = arith.constant 768 : i32
        %dma_start3A_177 = tpu.memref_slice %arg7[%dma_start3A_176] : memref<896xi32, #tpu.memory_space<vmem>> -> memref<128xi32, #tpu.memory_space<vmem>>
        %dma_start3A_178 = arith.constant 0 : i32
        %dma_start3A_179 = arith.constant 0 : i32
        %dma_start3A_180 = tpu.memref_slice %arg3[%dma_start3A_178, %dma_start3A_179] : memref<800000x16xf32, #tpu.memory_space<hbm>> -> memref<800000x16xf32, #tpu.memory_space<hbm>>
        tpu.enqueue_indirect_dma source(%dma_start3A_180 : memref<800000x16xf32, #tpu.memory_space<hbm>>) target(%dma_start3A_175 : memref<128x16xf32, #tpu.memory_space<vmem>>) offsets(%dma_start3A_177 : memref<128xi32, #tpu.memory_space<vmem>>) semaphore(%arg15 : memref<!tpu.dma_semaphore, #tpu.memory_space<semaphore_mem>>)
        %dma_wait3A_181 = arith.constant 0 : i32
        %dma_wait3A_182 = tpu.memref_slice %arg9[%dma_wait3A_181] : memref<896xi32, #tpu.memory_space<vmem>> -> memref<128xi32, #tpu.memory_space<vmem>>
        %dma_wait3A_183 = arith.constant 0 : i32
        %dma_wait3A_184 = tpu.memref_slice %arg7[%dma_wait3A_183] : memref<896xi32, #tpu.memory_space<vmem>> -> memref<128xi32, #tpu.memory_space<vmem>>
        %dma_wait3A_185 = arith.constant 0 : i32
        %dma_wait3A_186 = tpu.memref_slice %arg2[%dma_wait3A_185] : memref<800000xi32, #tpu.memory_space<hbm>> -> memref<800000xi32, #tpu.memory_space<hbm>>
        tpu.wait_indirect_dma semaphore(%arg15 : memref<!tpu.dma_semaphore, #tpu.memory_space<semaphore_mem>>) src(%dma_wait3A_186 : memref<800000xi32, #tpu.memory_space<hbm>>) dst(%dma_wait3A_182 : memref<128xi32, #tpu.memory_space<vmem>>)
        %dma_wait3A_187 = arith.constant 0 : i32
        %dma_wait3A_188 = arith.constant 0 : i32
        %dma_wait3A_189 = tpu.memref_slice %arg11[%dma_wait3A_187, %dma_wait3A_188] : memref<896x16xf32, #tpu.memory_space<vmem>> -> memref<128x16xf32, #tpu.memory_space<vmem>>
        %dma_wait3A_190 = arith.constant 0 : i32
        %dma_wait3A_191 = tpu.memref_slice %arg7[%dma_wait3A_190] : memref<896xi32, #tpu.memory_space<vmem>> -> memref<128xi32, #tpu.memory_space<vmem>>
        %dma_wait3A_192 = arith.constant 0 : i32
        %dma_wait3A_193 = arith.constant 0 : i32
        %dma_wait3A_194 = tpu.memref_slice %arg3[%dma_wait3A_192, %dma_wait3A_193] : memref<800000x16xf32, #tpu.memory_space<hbm>> -> memref<800000x16xf32, #tpu.memory_space<hbm>>
        tpu.wait_indirect_dma semaphore(%arg15 : memref<!tpu.dma_semaphore, #tpu.memory_space<semaphore_mem>>) src(%dma_wait3A_194 : memref<800000x16xf32, #tpu.memory_space<hbm>>) dst(%dma_wait3A_189 : memref<128x16xf32, #tpu.memory_space<vmem>>)
        %dma_wait3A_195 = arith.constant 128 : i32
        %dma_wait3A_196 = tpu.memref_slice %arg9[%dma_wait3A_195] : memref<896xi32, #tpu.memory_space<vmem>> -> memref<128xi32, #tpu.memory_space<vmem>>
        %dma_wait3A_197 = arith.constant 128 : i32
        %dma_wait3A_198 = tpu.memref_slice %arg7[%dma_wait3A_197] : memref<896xi32, #tpu.memory_space<vmem>> -> memref<128xi32, #tpu.memory_space<vmem>>
        %dma_wait3A_199 = arith.constant 0 : i32
        %dma_wait3A_200 = tpu.memref_slice %arg2[%dma_wait3A_199] : memref<800000xi32, #tpu.memory_space<hbm>> -> memref<800000xi32, #tpu.memory_space<hbm>>
        tpu.wait_indirect_dma semaphore(%arg15 : memref<!tpu.dma_semaphore, #tpu.memory_space<semaphore_mem>>) src(%dma_wait3A_200 : memref<800000xi32, #tpu.memory_space<hbm>>) dst(%dma_wait3A_196 : memref<128xi32, #tpu.memory_space<vmem>>)
        %dma_wait3A_201 = arith.constant 128 : i32
        %dma_wait3A_202 = arith.constant 0 : i32
        %dma_wait3A_203 = tpu.memref_slice %arg11[%dma_wait3A_201, %dma_wait3A_202] : memref<896x16xf32, #tpu.memory_space<vmem>> -> memref<128x16xf32, #tpu.memory_space<vmem>>
        %dma_wait3A_204 = arith.constant 128 : i32
        %dma_wait3A_205 = tpu.memref_slice %arg7[%dma_wait3A_204] : memref<896xi32, #tpu.memory_space<vmem>> -> memref<128xi32, #tpu.memory_space<vmem>>
        %dma_wait3A_206 = arith.constant 0 : i32
        %dma_wait3A_207 = arith.constant 0 : i32
        %dma_wait3A_208 = tpu.memref_slice %arg3[%dma_wait3A_206, %dma_wait3A_207] : memref<800000x16xf32, #tpu.memory_space<hbm>> -> memref<800000x16xf32, #tpu.memory_space<hbm>>
        tpu.wait_indirect_dma semaphore(%arg15 : memref<!tpu.dma_semaphore, #tpu.memory_space<semaphore_mem>>) src(%dma_wait3A_208 : memref<800000x16xf32, #tpu.memory_space<hbm>>) dst(%dma_wait3A_203 : memref<128x16xf32, #tpu.memory_space<vmem>>)
        %dma_wait3A_209 = arith.constant 256 : i32
        %dma_wait3A_210 = tpu.memref_slice %arg9[%dma_wait3A_209] : memref<896xi32, #tpu.memory_space<vmem>> -> memref<128xi32, #tpu.memory_space<vmem>>
        %dma_wait3A_211 = arith.constant 256 : i32
        %dma_wait3A_212 = tpu.memref_slice %arg7[%dma_wait3A_211] : memref<896xi32, #tpu.memory_space<vmem>> -> memref<128xi32, #tpu.memory_space<vmem>>
        %dma_wait3A_213 = arith.constant 0 : i32
        %dma_wait3A_214 = tpu.memref_slice %arg2[%dma_wait3A_213] : memref<800000xi32, #tpu.memory_space<hbm>> -> memref<800000xi32, #tpu.memory_space<hbm>>
        tpu.wait_indirect_dma semaphore(%arg15 : memref<!tpu.dma_semaphore, #tpu.memory_space<semaphore_mem>>) src(%dma_wait3A_214 : memref<800000xi32, #tpu.memory_space<hbm>>) dst(%dma_wait3A_210 : memref<128xi32, #tpu.memory_space<vmem>>)
        %dma_wait3A_215 = arith.constant 256 : i32
        %dma_wait3A_216 = arith.constant 0 : i32
        %dma_wait3A_217 = tpu.memref_slice %arg11[%dma_wait3A_215, %dma_wait3A_216] : memref<896x16xf32, #tpu.memory_space<vmem>> -> memref<128x16xf32, #tpu.memory_space<vmem>>
        %dma_wait3A_218 = arith.constant 256 : i32
        %dma_wait3A_219 = tpu.memref_slice %arg7[%dma_wait3A_218] : memref<896xi32, #tpu.memory_space<vmem>> -> memref<128xi32, #tpu.memory_space<vmem>>
        %dma_wait3A_220 = arith.constant 0 : i32
        %dma_wait3A_221 = arith.constant 0 : i32
        %dma_wait3A_222 = tpu.memref_slice %arg3[%dma_wait3A_220, %dma_wait3A_221] : memref<800000x16xf32, #tpu.memory_space<hbm>> -> memref<800000x16xf32, #tpu.memory_space<hbm>>
        tpu.wait_indirect_dma semaphore(%arg15 : memref<!tpu.dma_semaphore, #tpu.memory_space<semaphore_mem>>) src(%dma_wait3A_222 : memref<800000x16xf32, #tpu.memory_space<hbm>>) dst(%dma_wait3A_217 : memref<128x16xf32, #tpu.memory_space<vmem>>)
        %dma_wait3A_223 = arith.constant 384 : i32
        %dma_wait3A_224 = tpu.memref_slice %arg9[%dma_wait3A_223] : memref<896xi32, #tpu.memory_space<vmem>> -> memref<128xi32, #tpu.memory_space<vmem>>
        %dma_wait3A_225 = arith.constant 384 : i32
        %dma_wait3A_226 = tpu.memref_slice %arg7[%dma_wait3A_225] : memref<896xi32, #tpu.memory_space<vmem>> -> memref<128xi32, #tpu.memory_space<vmem>>
        %dma_wait3A_227 = arith.constant 0 : i32
        %dma_wait3A_228 = tpu.memref_slice %arg2[%dma_wait3A_227] : memref<800000xi32, #tpu.memory_space<hbm>> -> memref<800000xi32, #tpu.memory_space<hbm>>
        tpu.wait_indirect_dma semaphore(%arg15 : memref<!tpu.dma_semaphore, #tpu.memory_space<semaphore_mem>>) src(%dma_wait3A_228 : memref<800000xi32, #tpu.memory_space<hbm>>) dst(%dma_wait3A_224 : memref<128xi32, #tpu.memory_space<vmem>>)
        %dma_wait3A_229 = arith.constant 384 : i32
        %dma_wait3A_230 = arith.constant 0 : i32
        %dma_wait3A_231 = tpu.memref_slice %arg11[%dma_wait3A_229, %dma_wait3A_230] : memref<896x16xf32, #tpu.memory_space<vmem>> -> memref<128x16xf32, #tpu.memory_space<vmem>>
        %dma_wait3A_232 = arith.constant 384 : i32
        %dma_wait3A_233 = tpu.memref_slice %arg7[%dma_wait3A_232] : memref<896xi32, #tpu.memory_space<vmem>> -> memref<128xi32, #tpu.memory_space<vmem>>
        %dma_wait3A_234 = arith.constant 0 : i32
        %dma_wait3A_235 = arith.constant 0 : i32
        %dma_wait3A_236 = tpu.memref_slice %arg3[%dma_wait3A_234, %dma_wait3A_235] : memref<800000x16xf32, #tpu.memory_space<hbm>> -> memref<800000x16xf32, #tpu.memory_space<hbm>>
        tpu.wait_indirect_dma semaphore(%arg15 : memref<!tpu.dma_semaphore, #tpu.memory_space<semaphore_mem>>) src(%dma_wait3A_236 : memref<800000x16xf32, #tpu.memory_space<hbm>>) dst(%dma_wait3A_231 : memref<128x16xf32, #tpu.memory_space<vmem>>)
        %dma_wait3A_237 = arith.constant 512 : i32
        %dma_wait3A_238 = tpu.memref_slice %arg9[%dma_wait3A_237] : memref<896xi32, #tpu.memory_space<vmem>> -> memref<128xi32, #tpu.memory_space<vmem>>
        %dma_wait3A_239 = arith.constant 512 : i32
        %dma_wait3A_240 = tpu.memref_slice %arg7[%dma_wait3A_239] : memref<896xi32, #tpu.memory_space<vmem>> -> memref<128xi32, #tpu.memory_space<vmem>>
        %dma_wait3A_241 = arith.constant 0 : i32
        %dma_wait3A_242 = tpu.memref_slice %arg2[%dma_wait3A_241] : memref<800000xi32, #tpu.memory_space<hbm>> -> memref<800000xi32, #tpu.memory_space<hbm>>
        tpu.wait_indirect_dma semaphore(%arg15 : memref<!tpu.dma_semaphore, #tpu.memory_space<semaphore_mem>>) src(%dma_wait3A_242 : memref<800000xi32, #tpu.memory_space<hbm>>) dst(%dma_wait3A_238 : memref<128xi32, #tpu.memory_space<vmem>>)
        %dma_wait3A_243 = arith.constant 512 : i32
        %dma_wait3A_244 = arith.constant 0 : i32
        %dma_wait3A_245 = tpu.memref_slice %arg11[%dma_wait3A_243, %dma_wait3A_244] : memref<896x16xf32, #tpu.memory_space<vmem>> -> memref<128x16xf32, #tpu.memory_space<vmem>>
        %dma_wait3A_246 = arith.constant 512 : i32
        %dma_wait3A_247 = tpu.memref_slice %arg7[%dma_wait3A_246] : memref<896xi32, #tpu.memory_space<vmem>> -> memref<128xi32, #tpu.memory_space<vmem>>
        %dma_wait3A_248 = arith.constant 0 : i32
        %dma_wait3A_249 = arith.constant 0 : i32
        %dma_wait3A_250 = tpu.memref_slice %arg3[%dma_wait3A_248, %dma_wait3A_249] : memref<800000x16xf32, #tpu.memory_space<hbm>> -> memref<800000x16xf32, #tpu.memory_space<hbm>>
        tpu.wait_indirect_dma semaphore(%arg15 : memref<!tpu.dma_semaphore, #tpu.memory_space<semaphore_mem>>) src(%dma_wait3A_250 : memref<800000x16xf32, #tpu.memory_space<hbm>>) dst(%dma_wait3A_245 : memref<128x16xf32, #tpu.memory_space<vmem>>)
        %dma_wait3A_251 = arith.constant 640 : i32
        %dma_wait3A_252 = tpu.memref_slice %arg9[%dma_wait3A_251] : memref<896xi32, #tpu.memory_space<vmem>> -> memref<128xi32, #tpu.memory_space<vmem>>
        %dma_wait3A_253 = arith.constant 640 : i32
        %dma_wait3A_254 = tpu.memref_slice %arg7[%dma_wait3A_253] : memref<896xi32, #tpu.memory_space<vmem>> -> memref<128xi32, #tpu.memory_space<vmem>>
        %dma_wait3A_255 = arith.constant 0 : i32
        %dma_wait3A_256 = tpu.memref_slice %arg2[%dma_wait3A_255] : memref<800000xi32, #tpu.memory_space<hbm>> -> memref<800000xi32, #tpu.memory_space<hbm>>
        tpu.wait_indirect_dma semaphore(%arg15 : memref<!tpu.dma_semaphore, #tpu.memory_space<semaphore_mem>>) src(%dma_wait3A_256 : memref<800000xi32, #tpu.memory_space<hbm>>) dst(%dma_wait3A_252 : memref<128xi32, #tpu.memory_space<vmem>>)
        %dma_wait3A_257 = arith.constant 640 : i32
        %dma_wait3A_258 = arith.constant 0 : i32
        %dma_wait3A_259 = tpu.memref_slice %arg11[%dma_wait3A_257, %dma_wait3A_258] : memref<896x16xf32, #tpu.memory_space<vmem>> -> memref<128x16xf32, #tpu.memory_space<vmem>>
        %dma_wait3A_260 = arith.constant 640 : i32
        %dma_wait3A_261 = tpu.memref_slice %arg7[%dma_wait3A_260] : memref<896xi32, #tpu.memory_space<vmem>> -> memref<128xi32, #tpu.memory_space<vmem>>
        %dma_wait3A_262 = arith.constant 0 : i32
        %dma_wait3A_263 = arith.constant 0 : i32
        %dma_wait3A_264 = tpu.memref_slice %arg3[%dma_wait3A_262, %dma_wait3A_263] : memref<800000x16xf32, #tpu.memory_space<hbm>> -> memref<800000x16xf32, #tpu.memory_space<hbm>>
        tpu.wait_indirect_dma semaphore(%arg15 : memref<!tpu.dma_semaphore, #tpu.memory_space<semaphore_mem>>) src(%dma_wait3A_264 : memref<800000x16xf32, #tpu.memory_space<hbm>>) dst(%dma_wait3A_259 : memref<128x16xf32, #tpu.memory_space<vmem>>)
        %dma_wait3A_265 = arith.constant 768 : i32
        %dma_wait3A_266 = tpu.memref_slice %arg9[%dma_wait3A_265] : memref<896xi32, #tpu.memory_space<vmem>> -> memref<128xi32, #tpu.memory_space<vmem>>
        %dma_wait3A_267 = arith.constant 768 : i32
        %dma_wait3A_268 = tpu.memref_slice %arg7[%dma_wait3A_267] : memref<896xi32, #tpu.memory_space<vmem>> -> memref<128xi32, #tpu.memory_space<vmem>>
        %dma_wait3A_269 = arith.constant 0 : i32
        %dma_wait3A_270 = tpu.memref_slice %arg2[%dma_wait3A_269] : memref<800000xi32, #tpu.memory_space<hbm>> -> memref<800000xi32, #tpu.memory_space<hbm>>
        tpu.wait_indirect_dma semaphore(%arg15 : memref<!tpu.dma_semaphore, #tpu.memory_space<semaphore_mem>>) src(%dma_wait3A_270 : memref<800000xi32, #tpu.memory_space<hbm>>) dst(%dma_wait3A_266 : memref<128xi32, #tpu.memory_space<vmem>>)
        %dma_wait3A_271 = arith.constant 768 : i32
        %dma_wait3A_272 = arith.constant 0 : i32
        %dma_wait3A_273 = tpu.memref_slice %arg11[%dma_wait3A_271, %dma_wait3A_272] : memref<896x16xf32, #tpu.memory_space<vmem>> -> memref<128x16xf32, #tpu.memory_space<vmem>>
        %dma_wait3A_274 = arith.constant 768 : i32
        %dma_wait3A_275 = tpu.memref_slice %arg7[%dma_wait3A_274] : memref<896xi32, #tpu.memory_space<vmem>> -> memref<128xi32, #tpu.memory_space<vmem>>
        %dma_wait3A_276 = arith.constant 0 : i32
        %dma_wait3A_277 = arith.constant 0 : i32
        %dma_wait3A_278 = tpu.memref_slice %arg3[%dma_wait3A_276, %dma_wait3A_277] : memref<800000x16xf32, #tpu.memory_space<hbm>> -> memref<800000x16xf32, #tpu.memory_space<hbm>>
        tpu.wait_indirect_dma semaphore(%arg15 : memref<!tpu.dma_semaphore, #tpu.memory_space<semaphore_mem>>) src(%dma_wait3A_278 : memref<800000x16xf32, #tpu.memory_space<hbm>>) dst(%dma_wait3A_273 : memref<128x16xf32, #tpu.memory_space<vmem>>)
        %mul3A_279 = arith.constant 896 : i32
        %mul3A_280 = arith.muli %add3A_38, %mul3A_279 : i32
        %add3A_281 = arith.addi %mul3A_2, %mul3A_280 : i32
        %multiple_of3A_282 = tpu.assume_multiple %add3A_281, 8 : i32
        %dma_start3A_283 = tpu.memref_slice %arg5[%multiple_of3A_282] : memref<802816xi32, #tpu.memory_space<hbm>> -> memref<896xi32, #tpu.memory_space<hbm>>
        %dma_start3A_284 = tpu.memref_slice %arg5[%multiple_of3A_282] : memref<802816xi32, #tpu.memory_space<hbm>> -> memref<896xi32, #tpu.memory_space<hbm>>
        tpu.enqueue_dma source(%arg9 : memref<896xi32, #tpu.memory_space<vmem>>) target(%dma_start3A_284 : memref<896xi32, #tpu.memory_space<hbm>>) target_semaphore(%arg17 : memref<!tpu.dma_semaphore, #tpu.memory_space<semaphore_mem>>)
        %mul3A_285 = arith.constant 896 : i32
        %mul3A_286 = arith.muli %add3A_38, %mul3A_285 : i32
        %add3A_287 = arith.addi %mul3A_2, %mul3A_286 : i32
        %multiple_of3A_288 = tpu.assume_multiple %add3A_287, 8 : i32
        %dma_start3A_289 = arith.constant 0 : i32
        %dma_start3A_290 = tpu.memref_slice %arg6[%multiple_of3A_288, %dma_start3A_289] : memref<802816x16xf32, #tpu.memory_space<hbm>> -> memref<896x16xf32, #tpu.memory_space<hbm>>
        %dma_start3A_291 = arith.constant 0 : i32
        %dma_start3A_292 = tpu.memref_slice %arg6[%multiple_of3A_288, %dma_start3A_291] : memref<802816x16xf32, #tpu.memory_space<hbm>> -> memref<896x16xf32, #tpu.memory_space<hbm>>
        tpu.enqueue_dma source(%arg11 : memref<896x16xf32, #tpu.memory_space<vmem>>) target(%dma_start3A_292 : memref<896x16xf32, #tpu.memory_space<hbm>>) target_semaphore(%arg17 : memref<!tpu.dma_semaphore, #tpu.memory_space<semaphore_mem>>)
      } else {
      }
      %mul3A_57 = arith.constant 2 : i32
      %mul3A_58 = arith.muli %scan3A_34, %mul3A_57 : i32
      %add3A_59 = arith.constant 1 : i32
      %add3A_60 = arith.addi %mul3A_58, %add3A_59 : i32
      %add3A_61 = arith.constant 1 : i32
      %add3A_62 = arith.addi %add3A_60, %add3A_61 : i32
      %lt3A_63 = arith.constant 28 : i32
      %lt3A_64 = arith.cmpi slt, %add3A_62, %lt3A_63 : i32
      %convert_element_type3A_65 = arith.extui %lt3A_64 : i1 to i32
      %cond3A_66 = arith.constant 0 : i32
      %cond3A_67 = arith.cmpi ne, %convert_element_type3A_65, %cond3A_66 : i32
      scf.if %cond3A_67 {
        %add3A_83 = arith.constant 1 : i32
        %add3A_84 = arith.addi %add3A_60, %add3A_83 : i32
        %mul3A_85 = arith.constant 896 : i32
        %mul3A_86 = arith.muli %add3A_84, %mul3A_85 : i32
        %add3A_87 = arith.addi %mul3A_2, %mul3A_86 : i32
        %multiple_of3A_88 = tpu.assume_multiple %add3A_87, 8 : i32
        %dma_start3A_89 = tpu.memref_slice %arg4[%multiple_of3A_88] : memref<802816xi32, #tpu.memory_space<hbm>> -> memref<896xi32, #tpu.memory_space<hbm>>
        %dma_start3A_90 = tpu.memref_slice %arg4[%multiple_of3A_88] : memref<802816xi32, #tpu.memory_space<hbm>> -> memref<896xi32, #tpu.memory_space<hbm>>
        tpu.enqueue_dma source(%dma_start3A_90 : memref<896xi32, #tpu.memory_space<hbm>>) target(%arg7 : memref<896xi32, #tpu.memory_space<vmem>>) target_semaphore(%arg13 : memref<!tpu.dma_semaphore, #tpu.memory_space<semaphore_mem>>)
      } else {
      }
      %lt3A_68 = arith.constant 28 : i32
      %lt3A_69 = arith.cmpi slt, %add3A_60, %lt3A_68 : i32
      %convert_element_type3A_70 = arith.extui %lt3A_69 : i1 to i32
      %cond3A_71 = arith.constant 0 : i32
      %cond3A_72 = arith.cmpi ne, %convert_element_type3A_70, %cond3A_71 : i32
      scf.if %cond3A_72 {
        %mul3A_83 = arith.constant 896 : i32
        %mul3A_84 = arith.muli %add3A_60, %mul3A_83 : i32
        %add3A_85 = arith.addi %mul3A_2, %mul3A_84 : i32
        %multiple_of3A_86 = tpu.assume_multiple %add3A_85, 8 : i32
        %dma_wait3A_87 = tpu.memref_slice %arg4[%multiple_of3A_86] : memref<802816xi32, #tpu.memory_space<hbm>> -> memref<896xi32, #tpu.memory_space<hbm>>
        %dma_wait3A_88 = tpu.memref_slice %arg4[%multiple_of3A_86] : memref<802816xi32, #tpu.memory_space<hbm>> -> memref<896xi32, #tpu.memory_space<hbm>>
        tpu.wait_dma2 semaphore(%arg14 : memref<!tpu.dma_semaphore, #tpu.memory_space<semaphore_mem>>) src(%dma_wait3A_88 : memref<896xi32, #tpu.memory_space<hbm>>) dst(%arg8 : memref<896xi32, #tpu.memory_space<vmem>>)
      } else {
      }
      %ge3A_73 = arith.constant 2 : i32
      %ge3A_74 = arith.cmpi sge, %add3A_60, %ge3A_73 : i32
      %convert_element_type3A_75 = arith.extui %ge3A_74 : i1 to i32
      %cond3A_76 = arith.constant 0 : i32
      %cond3A_77 = arith.cmpi ne, %convert_element_type3A_75, %cond3A_76 : i32
      scf.if %cond3A_77 {
        %sub3A = arith.constant 2 : i32
        %sub3A_83 = arith.subi %add3A_60, %sub3A : i32
        %mul3A_84 = arith.constant 896 : i32
        %mul3A_85 = arith.muli %sub3A_83, %mul3A_84 : i32
        %add3A_86 = arith.addi %mul3A_2, %mul3A_85 : i32
        %multiple_of3A_87 = tpu.assume_multiple %add3A_86, 8 : i32
        %dma_wait3A_88 = tpu.memref_slice %arg5[%multiple_of3A_87] : memref<802816xi32, #tpu.memory_space<hbm>> -> memref<896xi32, #tpu.memory_space<hbm>>
        %dma_wait3A_89 = tpu.memref_slice %arg5[%multiple_of3A_87] : memref<802816xi32, #tpu.memory_space<hbm>> -> memref<896xi32, #tpu.memory_space<hbm>>
        tpu.wait_dma2 semaphore(%arg18 : memref<!tpu.dma_semaphore, #tpu.memory_space<semaphore_mem>>) src(%arg10 : memref<896xi32, #tpu.memory_space<vmem>>) dst(%dma_wait3A_89 : memref<896xi32, #tpu.memory_space<hbm>>)
        %mul3A_90 = arith.constant 896 : i32
        %mul3A_91 = arith.muli %sub3A_83, %mul3A_90 : i32
        %add3A_92 = arith.addi %mul3A_2, %mul3A_91 : i32
        %multiple_of3A_93 = tpu.assume_multiple %add3A_92, 8 : i32
        %dma_wait3A_94 = arith.constant 0 : i32
        %dma_wait3A_95 = tpu.memref_slice %arg6[%multiple_of3A_93, %dma_wait3A_94] : memref<802816x16xf32, #tpu.memory_space<hbm>> -> memref<896x16xf32, #tpu.memory_space<hbm>>
        %dma_wait3A_96 = arith.constant 0 : i32
        %dma_wait3A_97 = tpu.memref_slice %arg6[%multiple_of3A_93, %dma_wait3A_96] : memref<802816x16xf32, #tpu.memory_space<hbm>> -> memref<896x16xf32, #tpu.memory_space<hbm>>
        tpu.wait_dma2 semaphore(%arg18 : memref<!tpu.dma_semaphore, #tpu.memory_space<semaphore_mem>>) src(%arg12 : memref<896x16xf32, #tpu.memory_space<vmem>>) dst(%dma_wait3A_97 : memref<896x16xf32, #tpu.memory_space<hbm>>)
      } else {
      }
      %lt3A_78 = arith.constant 28 : i32
      %lt3A_79 = arith.cmpi slt, %add3A_60, %lt3A_78 : i32
      %convert_element_type3A_80 = arith.extui %lt3A_79 : i1 to i32
      %cond3A_81 = arith.constant 0 : i32
      %cond3A_82 = arith.cmpi ne, %convert_element_type3A_80, %cond3A_81 : i32
      scf.if %cond3A_82 {
        %dma_start3A_83 = arith.constant 0 : i32
        %dma_start3A_84 = tpu.memref_slice %arg10[%dma_start3A_83] : memref<896xi32, #tpu.memory_space<vmem>> -> memref<128xi32, #tpu.memory_space<vmem>>
        %dma_start3A_85 = arith.constant 0 : i32
        %dma_start3A_86 = tpu.memref_slice %arg8[%dma_start3A_85] : memref<896xi32, #tpu.memory_space<vmem>> -> memref<128xi32, #tpu.memory_space<vmem>>
        %dma_start3A_87 = arith.constant 0 : i32
        %dma_start3A_88 = tpu.memref_slice %arg2[%dma_start3A_87] : memref<800000xi32, #tpu.memory_space<hbm>> -> memref<800000xi32, #tpu.memory_space<hbm>>
        tpu.enqueue_indirect_dma source(%dma_start3A_88 : memref<800000xi32, #tpu.memory_space<hbm>>) target(%dma_start3A_84 : memref<128xi32, #tpu.memory_space<vmem>>) offsets(%dma_start3A_86 : memref<128xi32, #tpu.memory_space<vmem>>) semaphore(%arg16 : memref<!tpu.dma_semaphore, #tpu.memory_space<semaphore_mem>>)
        %dma_start3A_89 = arith.constant 0 : i32
        %dma_start3A_90 = arith.constant 0 : i32
        %dma_start3A_91 = tpu.memref_slice %arg12[%dma_start3A_89, %dma_start3A_90] : memref<896x16xf32, #tpu.memory_space<vmem>> -> memref<128x16xf32, #tpu.memory_space<vmem>>
        %dma_start3A_92 = arith.constant 0 : i32
        %dma_start3A_93 = tpu.memref_slice %arg8[%dma_start3A_92] : memref<896xi32, #tpu.memory_space<vmem>> -> memref<128xi32, #tpu.memory_space<vmem>>
        %dma_start3A_94 = arith.constant 0 : i32
        %dma_start3A_95 = arith.constant 0 : i32
        %dma_start3A_96 = tpu.memref_slice %arg3[%dma_start3A_94, %dma_start3A_95] : memref<800000x16xf32, #tpu.memory_space<hbm>> -> memref<800000x16xf32, #tpu.memory_space<hbm>>
        tpu.enqueue_indirect_dma source(%dma_start3A_96 : memref<800000x16xf32, #tpu.memory_space<hbm>>) target(%dma_start3A_91 : memref<128x16xf32, #tpu.memory_space<vmem>>) offsets(%dma_start3A_93 : memref<128xi32, #tpu.memory_space<vmem>>) semaphore(%arg16 : memref<!tpu.dma_semaphore, #tpu.memory_space<semaphore_mem>>)
        %dma_start3A_97 = arith.constant 128 : i32
        %dma_start3A_98 = tpu.memref_slice %arg10[%dma_start3A_97] : memref<896xi32, #tpu.memory_space<vmem>> -> memref<128xi32, #tpu.memory_space<vmem>>
        %dma_start3A_99 = arith.constant 128 : i32
        %dma_start3A_100 = tpu.memref_slice %arg8[%dma_start3A_99] : memref<896xi32, #tpu.memory_space<vmem>> -> memref<128xi32, #tpu.memory_space<vmem>>
        %dma_start3A_101 = arith.constant 0 : i32
        %dma_start3A_102 = tpu.memref_slice %arg2[%dma_start3A_101] : memref<800000xi32, #tpu.memory_space<hbm>> -> memref<800000xi32, #tpu.memory_space<hbm>>
        tpu.enqueue_indirect_dma source(%dma_start3A_102 : memref<800000xi32, #tpu.memory_space<hbm>>) target(%dma_start3A_98 : memref<128xi32, #tpu.memory_space<vmem>>) offsets(%dma_start3A_100 : memref<128xi32, #tpu.memory_space<vmem>>) semaphore(%arg16 : memref<!tpu.dma_semaphore, #tpu.memory_space<semaphore_mem>>)
        %dma_start3A_103 = arith.constant 128 : i32
        %dma_start3A_104 = arith.constant 0 : i32
        %dma_start3A_105 = tpu.memref_slice %arg12[%dma_start3A_103, %dma_start3A_104] : memref<896x16xf32, #tpu.memory_space<vmem>> -> memref<128x16xf32, #tpu.memory_space<vmem>>
        %dma_start3A_106 = arith.constant 128 : i32
        %dma_start3A_107 = tpu.memref_slice %arg8[%dma_start3A_106] : memref<896xi32, #tpu.memory_space<vmem>> -> memref<128xi32, #tpu.memory_space<vmem>>
        %dma_start3A_108 = arith.constant 0 : i32
        %dma_start3A_109 = arith.constant 0 : i32
        %dma_start3A_110 = tpu.memref_slice %arg3[%dma_start3A_108, %dma_start3A_109] : memref<800000x16xf32, #tpu.memory_space<hbm>> -> memref<800000x16xf32, #tpu.memory_space<hbm>>
        tpu.enqueue_indirect_dma source(%dma_start3A_110 : memref<800000x16xf32, #tpu.memory_space<hbm>>) target(%dma_start3A_105 : memref<128x16xf32, #tpu.memory_space<vmem>>) offsets(%dma_start3A_107 : memref<128xi32, #tpu.memory_space<vmem>>) semaphore(%arg16 : memref<!tpu.dma_semaphore, #tpu.memory_space<semaphore_mem>>)
        %dma_start3A_111 = arith.constant 256 : i32
        %dma_start3A_112 = tpu.memref_slice %arg10[%dma_start3A_111] : memref<896xi32, #tpu.memory_space<vmem>> -> memref<128xi32, #tpu.memory_space<vmem>>
        %dma_start3A_113 = arith.constant 256 : i32
        %dma_start3A_114 = tpu.memref_slice %arg8[%dma_start3A_113] : memref<896xi32, #tpu.memory_space<vmem>> -> memref<128xi32, #tpu.memory_space<vmem>>
        %dma_start3A_115 = arith.constant 0 : i32
        %dma_start3A_116 = tpu.memref_slice %arg2[%dma_start3A_115] : memref<800000xi32, #tpu.memory_space<hbm>> -> memref<800000xi32, #tpu.memory_space<hbm>>
        tpu.enqueue_indirect_dma source(%dma_start3A_116 : memref<800000xi32, #tpu.memory_space<hbm>>) target(%dma_start3A_112 : memref<128xi32, #tpu.memory_space<vmem>>) offsets(%dma_start3A_114 : memref<128xi32, #tpu.memory_space<vmem>>) semaphore(%arg16 : memref<!tpu.dma_semaphore, #tpu.memory_space<semaphore_mem>>)
        %dma_start3A_117 = arith.constant 256 : i32
        %dma_start3A_118 = arith.constant 0 : i32
        %dma_start3A_119 = tpu.memref_slice %arg12[%dma_start3A_117, %dma_start3A_118] : memref<896x16xf32, #tpu.memory_space<vmem>> -> memref<128x16xf32, #tpu.memory_space<vmem>>
        %dma_start3A_120 = arith.constant 256 : i32
        %dma_start3A_121 = tpu.memref_slice %arg8[%dma_start3A_120] : memref<896xi32, #tpu.memory_space<vmem>> -> memref<128xi32, #tpu.memory_space<vmem>>
        %dma_start3A_122 = arith.constant 0 : i32
        %dma_start3A_123 = arith.constant 0 : i32
        %dma_start3A_124 = tpu.memref_slice %arg3[%dma_start3A_122, %dma_start3A_123] : memref<800000x16xf32, #tpu.memory_space<hbm>> -> memref<800000x16xf32, #tpu.memory_space<hbm>>
        tpu.enqueue_indirect_dma source(%dma_start3A_124 : memref<800000x16xf32, #tpu.memory_space<hbm>>) target(%dma_start3A_119 : memref<128x16xf32, #tpu.memory_space<vmem>>) offsets(%dma_start3A_121 : memref<128xi32, #tpu.memory_space<vmem>>) semaphore(%arg16 : memref<!tpu.dma_semaphore, #tpu.memory_space<semaphore_mem>>)
        %dma_start3A_125 = arith.constant 384 : i32
        %dma_start3A_126 = tpu.memref_slice %arg10[%dma_start3A_125] : memref<896xi32, #tpu.memory_space<vmem>> -> memref<128xi32, #tpu.memory_space<vmem>>
        %dma_start3A_127 = arith.constant 384 : i32
        %dma_start3A_128 = tpu.memref_slice %arg8[%dma_start3A_127] : memref<896xi32, #tpu.memory_space<vmem>> -> memref<128xi32, #tpu.memory_space<vmem>>
        %dma_start3A_129 = arith.constant 0 : i32
        %dma_start3A_130 = tpu.memref_slice %arg2[%dma_start3A_129] : memref<800000xi32, #tpu.memory_space<hbm>> -> memref<800000xi32, #tpu.memory_space<hbm>>
        tpu.enqueue_indirect_dma source(%dma_start3A_130 : memref<800000xi32, #tpu.memory_space<hbm>>) target(%dma_start3A_126 : memref<128xi32, #tpu.memory_space<vmem>>) offsets(%dma_start3A_128 : memref<128xi32, #tpu.memory_space<vmem>>) semaphore(%arg16 : memref<!tpu.dma_semaphore, #tpu.memory_space<semaphore_mem>>)
        %dma_start3A_131 = arith.constant 384 : i32
        %dma_start3A_132 = arith.constant 0 : i32
        %dma_start3A_133 = tpu.memref_slice %arg12[%dma_start3A_131, %dma_start3A_132] : memref<896x16xf32, #tpu.memory_space<vmem>> -> memref<128x16xf32, #tpu.memory_space<vmem>>
        %dma_start3A_134 = arith.constant 384 : i32
        %dma_start3A_135 = tpu.memref_slice %arg8[%dma_start3A_134] : memref<896xi32, #tpu.memory_space<vmem>> -> memref<128xi32, #tpu.memory_space<vmem>>
        %dma_start3A_136 = arith.constant 0 : i32
        %dma_start3A_137 = arith.constant 0 : i32
        %dma_start3A_138 = tpu.memref_slice %arg3[%dma_start3A_136, %dma_start3A_137] : memref<800000x16xf32, #tpu.memory_space<hbm>> -> memref<800000x16xf32, #tpu.memory_space<hbm>>
        tpu.enqueue_indirect_dma source(%dma_start3A_138 : memref<800000x16xf32, #tpu.memory_space<hbm>>) target(%dma_start3A_133 : memref<128x16xf32, #tpu.memory_space<vmem>>) offsets(%dma_start3A_135 : memref<128xi32, #tpu.memory_space<vmem>>) semaphore(%arg16 : memref<!tpu.dma_semaphore, #tpu.memory_space<semaphore_mem>>)
        %dma_start3A_139 = arith.constant 512 : i32
        %dma_start3A_140 = tpu.memref_slice %arg10[%dma_start3A_139] : memref<896xi32, #tpu.memory_space<vmem>> -> memref<128xi32, #tpu.memory_space<vmem>>
        %dma_start3A_141 = arith.constant 512 : i32
        %dma_start3A_142 = tpu.memref_slice %arg8[%dma_start3A_141] : memref<896xi32, #tpu.memory_space<vmem>> -> memref<128xi32, #tpu.memory_space<vmem>>
        %dma_start3A_143 = arith.constant 0 : i32
        %dma_start3A_144 = tpu.memref_slice %arg2[%dma_start3A_143] : memref<800000xi32, #tpu.memory_space<hbm>> -> memref<800000xi32, #tpu.memory_space<hbm>>
        tpu.enqueue_indirect_dma source(%dma_start3A_144 : memref<800000xi32, #tpu.memory_space<hbm>>) target(%dma_start3A_140 : memref<128xi32, #tpu.memory_space<vmem>>) offsets(%dma_start3A_142 : memref<128xi32, #tpu.memory_space<vmem>>) semaphore(%arg16 : memref<!tpu.dma_semaphore, #tpu.memory_space<semaphore_mem>>)
        %dma_start3A_145 = arith.constant 512 : i32
        %dma_start3A_146 = arith.constant 0 : i32
        %dma_start3A_147 = tpu.memref_slice %arg12[%dma_start3A_145, %dma_start3A_146] : memref<896x16xf32, #tpu.memory_space<vmem>> -> memref<128x16xf32, #tpu.memory_space<vmem>>
        %dma_start3A_148 = arith.constant 512 : i32
        %dma_start3A_149 = tpu.memref_slice %arg8[%dma_start3A_148] : memref<896xi32, #tpu.memory_space<vmem>> -> memref<128xi32, #tpu.memory_space<vmem>>
        %dma_start3A_150 = arith.constant 0 : i32
        %dma_start3A_151 = arith.constant 0 : i32
        %dma_start3A_152 = tpu.memref_slice %arg3[%dma_start3A_150, %dma_start3A_151] : memref<800000x16xf32, #tpu.memory_space<hbm>> -> memref<800000x16xf32, #tpu.memory_space<hbm>>
        tpu.enqueue_indirect_dma source(%dma_start3A_152 : memref<800000x16xf32, #tpu.memory_space<hbm>>) target(%dma_start3A_147 : memref<128x16xf32, #tpu.memory_space<vmem>>) offsets(%dma_start3A_149 : memref<128xi32, #tpu.memory_space<vmem>>) semaphore(%arg16 : memref<!tpu.dma_semaphore, #tpu.memory_space<semaphore_mem>>)
        %dma_start3A_153 = arith.constant 640 : i32
        %dma_start3A_154 = tpu.memref_slice %arg10[%dma_start3A_153] : memref<896xi32, #tpu.memory_space<vmem>> -> memref<128xi32, #tpu.memory_space<vmem>>
        %dma_start3A_155 = arith.constant 640 : i32
        %dma_start3A_156 = tpu.memref_slice %arg8[%dma_start3A_155] : memref<896xi32, #tpu.memory_space<vmem>> -> memref<128xi32, #tpu.memory_space<vmem>>
        %dma_start3A_157 = arith.constant 0 : i32
        %dma_start3A_158 = tpu.memref_slice %arg2[%dma_start3A_157] : memref<800000xi32, #tpu.memory_space<hbm>> -> memref<800000xi32, #tpu.memory_space<hbm>>
        tpu.enqueue_indirect_dma source(%dma_start3A_158 : memref<800000xi32, #tpu.memory_space<hbm>>) target(%dma_start3A_154 : memref<128xi32, #tpu.memory_space<vmem>>) offsets(%dma_start3A_156 : memref<128xi32, #tpu.memory_space<vmem>>) semaphore(%arg16 : memref<!tpu.dma_semaphore, #tpu.memory_space<semaphore_mem>>)
        %dma_start3A_159 = arith.constant 640 : i32
        %dma_start3A_160 = arith.constant 0 : i32
        %dma_start3A_161 = tpu.memref_slice %arg12[%dma_start3A_159, %dma_start3A_160] : memref<896x16xf32, #tpu.memory_space<vmem>> -> memref<128x16xf32, #tpu.memory_space<vmem>>
        %dma_start3A_162 = arith.constant 640 : i32
        %dma_start3A_163 = tpu.memref_slice %arg8[%dma_start3A_162] : memref<896xi32, #tpu.memory_space<vmem>> -> memref<128xi32, #tpu.memory_space<vmem>>
        %dma_start3A_164 = arith.constant 0 : i32
        %dma_start3A_165 = arith.constant 0 : i32
        %dma_start3A_166 = tpu.memref_slice %arg3[%dma_start3A_164, %dma_start3A_165] : memref<800000x16xf32, #tpu.memory_space<hbm>> -> memref<800000x16xf32, #tpu.memory_space<hbm>>
        tpu.enqueue_indirect_dma source(%dma_start3A_166 : memref<800000x16xf32, #tpu.memory_space<hbm>>) target(%dma_start3A_161 : memref<128x16xf32, #tpu.memory_space<vmem>>) offsets(%dma_start3A_163 : memref<128xi32, #tpu.memory_space<vmem>>) semaphore(%arg16 : memref<!tpu.dma_semaphore, #tpu.memory_space<semaphore_mem>>)
        %dma_start3A_167 = arith.constant 768 : i32
        %dma_start3A_168 = tpu.memref_slice %arg10[%dma_start3A_167] : memref<896xi32, #tpu.memory_space<vmem>> -> memref<128xi32, #tpu.memory_space<vmem>>
        %dma_start3A_169 = arith.constant 768 : i32
        %dma_start3A_170 = tpu.memref_slice %arg8[%dma_start3A_169] : memref<896xi32, #tpu.memory_space<vmem>> -> memref<128xi32, #tpu.memory_space<vmem>>
        %dma_start3A_171 = arith.constant 0 : i32
        %dma_start3A_172 = tpu.memref_slice %arg2[%dma_start3A_171] : memref<800000xi32, #tpu.memory_space<hbm>> -> memref<800000xi32, #tpu.memory_space<hbm>>
        tpu.enqueue_indirect_dma source(%dma_start3A_172 : memref<800000xi32, #tpu.memory_space<hbm>>) target(%dma_start3A_168 : memref<128xi32, #tpu.memory_space<vmem>>) offsets(%dma_start3A_170 : memref<128xi32, #tpu.memory_space<vmem>>) semaphore(%arg16 : memref<!tpu.dma_semaphore, #tpu.memory_space<semaphore_mem>>)
        %dma_start3A_173 = arith.constant 768 : i32
        %dma_start3A_174 = arith.constant 0 : i32
        %dma_start3A_175 = tpu.memref_slice %arg12[%dma_start3A_173, %dma_start3A_174] : memref<896x16xf32, #tpu.memory_space<vmem>> -> memref<128x16xf32, #tpu.memory_space<vmem>>
        %dma_start3A_176 = arith.constant 768 : i32
        %dma_start3A_177 = tpu.memref_slice %arg8[%dma_start3A_176] : memref<896xi32, #tpu.memory_space<vmem>> -> memref<128xi32, #tpu.memory_space<vmem>>
        %dma_start3A_178 = arith.constant 0 : i32
        %dma_start3A_179 = arith.constant 0 : i32
        %dma_start3A_180 = tpu.memref_slice %arg3[%dma_start3A_178, %dma_start3A_179] : memref<800000x16xf32, #tpu.memory_space<hbm>> -> memref<800000x16xf32, #tpu.memory_space<hbm>>
        tpu.enqueue_indirect_dma source(%dma_start3A_180 : memref<800000x16xf32, #tpu.memory_space<hbm>>) target(%dma_start3A_175 : memref<128x16xf32, #tpu.memory_space<vmem>>) offsets(%dma_start3A_177 : memref<128xi32, #tpu.memory_space<vmem>>) semaphore(%arg16 : memref<!tpu.dma_semaphore, #tpu.memory_space<semaphore_mem>>)
        %dma_wait3A_181 = arith.constant 0 : i32
        %dma_wait3A_182 = tpu.memref_slice %arg10[%dma_wait3A_181] : memref<896xi32, #tpu.memory_space<vmem>> -> memref<128xi32, #tpu.memory_space<vmem>>
        %dma_wait3A_183 = arith.constant 0 : i32
        %dma_wait3A_184 = tpu.memref_slice %arg8[%dma_wait3A_183] : memref<896xi32, #tpu.memory_space<vmem>> -> memref<128xi32, #tpu.memory_space<vmem>>
        %dma_wait3A_185 = arith.constant 0 : i32
        %dma_wait3A_186 = tpu.memref_slice %arg2[%dma_wait3A_185] : memref<800000xi32, #tpu.memory_space<hbm>> -> memref<800000xi32, #tpu.memory_space<hbm>>
        tpu.wait_indirect_dma semaphore(%arg16 : memref<!tpu.dma_semaphore, #tpu.memory_space<semaphore_mem>>) src(%dma_wait3A_186 : memref<800000xi32, #tpu.memory_space<hbm>>) dst(%dma_wait3A_182 : memref<128xi32, #tpu.memory_space<vmem>>)
        %dma_wait3A_187 = arith.constant 0 : i32
        %dma_wait3A_188 = arith.constant 0 : i32
        %dma_wait3A_189 = tpu.memref_slice %arg12[%dma_wait3A_187, %dma_wait3A_188] : memref<896x16xf32, #tpu.memory_space<vmem>> -> memref<128x16xf32, #tpu.memory_space<vmem>>
        %dma_wait3A_190 = arith.constant 0 : i32
        %dma_wait3A_191 = tpu.memref_slice %arg8[%dma_wait3A_190] : memref<896xi32, #tpu.memory_space<vmem>> -> memref<128xi32, #tpu.memory_space<vmem>>
        %dma_wait3A_192 = arith.constant 0 : i32
        %dma_wait3A_193 = arith.constant 0 : i32
        %dma_wait3A_194 = tpu.memref_slice %arg3[%dma_wait3A_192, %dma_wait3A_193] : memref<800000x16xf32, #tpu.memory_space<hbm>> -> memref<800000x16xf32, #tpu.memory_space<hbm>>
        tpu.wait_indirect_dma semaphore(%arg16 : memref<!tpu.dma_semaphore, #tpu.memory_space<semaphore_mem>>) src(%dma_wait3A_194 : memref<800000x16xf32, #tpu.memory_space<hbm>>) dst(%dma_wait3A_189 : memref<128x16xf32, #tpu.memory_space<vmem>>)
        %dma_wait3A_195 = arith.constant 128 : i32
        %dma_wait3A_196 = tpu.memref_slice %arg10[%dma_wait3A_195] : memref<896xi32, #tpu.memory_space<vmem>> -> memref<128xi32, #tpu.memory_space<vmem>>
        %dma_wait3A_197 = arith.constant 128 : i32
        %dma_wait3A_198 = tpu.memref_slice %arg8[%dma_wait3A_197] : memref<896xi32, #tpu.memory_space<vmem>> -> memref<128xi32, #tpu.memory_space<vmem>>
        %dma_wait3A_199 = arith.constant 0 : i32
        %dma_wait3A_200 = tpu.memref_slice %arg2[%dma_wait3A_199] : memref<800000xi32, #tpu.memory_space<hbm>> -> memref<800000xi32, #tpu.memory_space<hbm>>
        tpu.wait_indirect_dma semaphore(%arg16 : memref<!tpu.dma_semaphore, #tpu.memory_space<semaphore_mem>>) src(%dma_wait3A_200 : memref<800000xi32, #tpu.memory_space<hbm>>) dst(%dma_wait3A_196 : memref<128xi32, #tpu.memory_space<vmem>>)
        %dma_wait3A_201 = arith.constant 128 : i32
        %dma_wait3A_202 = arith.constant 0 : i32
        %dma_wait3A_203 = tpu.memref_slice %arg12[%dma_wait3A_201, %dma_wait3A_202] : memref<896x16xf32, #tpu.memory_space<vmem>> -> memref<128x16xf32, #tpu.memory_space<vmem>>
        %dma_wait3A_204 = arith.constant 128 : i32
        %dma_wait3A_205 = tpu.memref_slice %arg8[%dma_wait3A_204] : memref<896xi32, #tpu.memory_space<vmem>> -> memref<128xi32, #tpu.memory_space<vmem>>
        %dma_wait3A_206 = arith.constant 0 : i32
        %dma_wait3A_207 = arith.constant 0 : i32
        %dma_wait3A_208 = tpu.memref_slice %arg3[%dma_wait3A_206, %dma_wait3A_207] : memref<800000x16xf32, #tpu.memory_space<hbm>> -> memref<800000x16xf32, #tpu.memory_space<hbm>>
        tpu.wait_indirect_dma semaphore(%arg16 : memref<!tpu.dma_semaphore, #tpu.memory_space<semaphore_mem>>) src(%dma_wait3A_208 : memref<800000x16xf32, #tpu.memory_space<hbm>>) dst(%dma_wait3A_203 : memref<128x16xf32, #tpu.memory_space<vmem>>)
        %dma_wait3A_209 = arith.constant 256 : i32
        %dma_wait3A_210 = tpu.memref_slice %arg10[%dma_wait3A_209] : memref<896xi32, #tpu.memory_space<vmem>> -> memref<128xi32, #tpu.memory_space<vmem>>
        %dma_wait3A_211 = arith.constant 256 : i32
        %dma_wait3A_212 = tpu.memref_slice %arg8[%dma_wait3A_211] : memref<896xi32, #tpu.memory_space<vmem>> -> memref<128xi32, #tpu.memory_space<vmem>>
        %dma_wait3A_213 = arith.constant 0 : i32
        %dma_wait3A_214 = tpu.memref_slice %arg2[%dma_wait3A_213] : memref<800000xi32, #tpu.memory_space<hbm>> -> memref<800000xi32, #tpu.memory_space<hbm>>
        tpu.wait_indirect_dma semaphore(%arg16 : memref<!tpu.dma_semaphore, #tpu.memory_space<semaphore_mem>>) src(%dma_wait3A_214 : memref<800000xi32, #tpu.memory_space<hbm>>) dst(%dma_wait3A_210 : memref<128xi32, #tpu.memory_space<vmem>>)
        %dma_wait3A_215 = arith.constant 256 : i32
        %dma_wait3A_216 = arith.constant 0 : i32
        %dma_wait3A_217 = tpu.memref_slice %arg12[%dma_wait3A_215, %dma_wait3A_216] : memref<896x16xf32, #tpu.memory_space<vmem>> -> memref<128x16xf32, #tpu.memory_space<vmem>>
        %dma_wait3A_218 = arith.constant 256 : i32
        %dma_wait3A_219 = tpu.memref_slice %arg8[%dma_wait3A_218] : memref<896xi32, #tpu.memory_space<vmem>> -> memref<128xi32, #tpu.memory_space<vmem>>
        %dma_wait3A_220 = arith.constant 0 : i32
        %dma_wait3A_221 = arith.constant 0 : i32
        %dma_wait3A_222 = tpu.memref_slice %arg3[%dma_wait3A_220, %dma_wait3A_221] : memref<800000x16xf32, #tpu.memory_space<hbm>> -> memref<800000x16xf32, #tpu.memory_space<hbm>>
        tpu.wait_indirect_dma semaphore(%arg16 : memref<!tpu.dma_semaphore, #tpu.memory_space<semaphore_mem>>) src(%dma_wait3A_222 : memref<800000x16xf32, #tpu.memory_space<hbm>>) dst(%dma_wait3A_217 : memref<128x16xf32, #tpu.memory_space<vmem>>)
        %dma_wait3A_223 = arith.constant 384 : i32
        %dma_wait3A_224 = tpu.memref_slice %arg10[%dma_wait3A_223] : memref<896xi32, #tpu.memory_space<vmem>> -> memref<128xi32, #tpu.memory_space<vmem>>
        %dma_wait3A_225 = arith.constant 384 : i32
        %dma_wait3A_226 = tpu.memref_slice %arg8[%dma_wait3A_225] : memref<896xi32, #tpu.memory_space<vmem>> -> memref<128xi32, #tpu.memory_space<vmem>>
        %dma_wait3A_227 = arith.constant 0 : i32
        %dma_wait3A_228 = tpu.memref_slice %arg2[%dma_wait3A_227] : memref<800000xi32, #tpu.memory_space<hbm>> -> memref<800000xi32, #tpu.memory_space<hbm>>
        tpu.wait_indirect_dma semaphore(%arg16 : memref<!tpu.dma_semaphore, #tpu.memory_space<semaphore_mem>>) src(%dma_wait3A_228 : memref<800000xi32, #tpu.memory_space<hbm>>) dst(%dma_wait3A_224 : memref<128xi32, #tpu.memory_space<vmem>>)
        %dma_wait3A_229 = arith.constant 384 : i32
        %dma_wait3A_230 = arith.constant 0 : i32
        %dma_wait3A_231 = tpu.memref_slice %arg12[%dma_wait3A_229, %dma_wait3A_230] : memref<896x16xf32, #tpu.memory_space<vmem>> -> memref<128x16xf32, #tpu.memory_space<vmem>>
        %dma_wait3A_232 = arith.constant 384 : i32
        %dma_wait3A_233 = tpu.memref_slice %arg8[%dma_wait3A_232] : memref<896xi32, #tpu.memory_space<vmem>> -> memref<128xi32, #tpu.memory_space<vmem>>
        %dma_wait3A_234 = arith.constant 0 : i32
        %dma_wait3A_235 = arith.constant 0 : i32
        %dma_wait3A_236 = tpu.memref_slice %arg3[%dma_wait3A_234, %dma_wait3A_235] : memref<800000x16xf32, #tpu.memory_space<hbm>> -> memref<800000x16xf32, #tpu.memory_space<hbm>>
        tpu.wait_indirect_dma semaphore(%arg16 : memref<!tpu.dma_semaphore, #tpu.memory_space<semaphore_mem>>) src(%dma_wait3A_236 : memref<800000x16xf32, #tpu.memory_space<hbm>>) dst(%dma_wait3A_231 : memref<128x16xf32, #tpu.memory_space<vmem>>)
        %dma_wait3A_237 = arith.constant 512 : i32
        %dma_wait3A_238 = tpu.memref_slice %arg10[%dma_wait3A_237] : memref<896xi32, #tpu.memory_space<vmem>> -> memref<128xi32, #tpu.memory_space<vmem>>
        %dma_wait3A_239 = arith.constant 512 : i32
        %dma_wait3A_240 = tpu.memref_slice %arg8[%dma_wait3A_239] : memref<896xi32, #tpu.memory_space<vmem>> -> memref<128xi32, #tpu.memory_space<vmem>>
        %dma_wait3A_241 = arith.constant 0 : i32
        %dma_wait3A_242 = tpu.memref_slice %arg2[%dma_wait3A_241] : memref<800000xi32, #tpu.memory_space<hbm>> -> memref<800000xi32, #tpu.memory_space<hbm>>
        tpu.wait_indirect_dma semaphore(%arg16 : memref<!tpu.dma_semaphore, #tpu.memory_space<semaphore_mem>>) src(%dma_wait3A_242 : memref<800000xi32, #tpu.memory_space<hbm>>) dst(%dma_wait3A_238 : memref<128xi32, #tpu.memory_space<vmem>>)
        %dma_wait3A_243 = arith.constant 512 : i32
        %dma_wait3A_244 = arith.constant 0 : i32
        %dma_wait3A_245 = tpu.memref_slice %arg12[%dma_wait3A_243, %dma_wait3A_244] : memref<896x16xf32, #tpu.memory_space<vmem>> -> memref<128x16xf32, #tpu.memory_space<vmem>>
        %dma_wait3A_246 = arith.constant 512 : i32
        %dma_wait3A_247 = tpu.memref_slice %arg8[%dma_wait3A_246] : memref<896xi32, #tpu.memory_space<vmem>> -> memref<128xi32, #tpu.memory_space<vmem>>
        %dma_wait3A_248 = arith.constant 0 : i32
        %dma_wait3A_249 = arith.constant 0 : i32
        %dma_wait3A_250 = tpu.memref_slice %arg3[%dma_wait3A_248, %dma_wait3A_249] : memref<800000x16xf32, #tpu.memory_space<hbm>> -> memref<800000x16xf32, #tpu.memory_space<hbm>>
        tpu.wait_indirect_dma semaphore(%arg16 : memref<!tpu.dma_semaphore, #tpu.memory_space<semaphore_mem>>) src(%dma_wait3A_250 : memref<800000x16xf32, #tpu.memory_space<hbm>>) dst(%dma_wait3A_245 : memref<128x16xf32, #tpu.memory_space<vmem>>)
        %dma_wait3A_251 = arith.constant 640 : i32
        %dma_wait3A_252 = tpu.memref_slice %arg10[%dma_wait3A_251] : memref<896xi32, #tpu.memory_space<vmem>> -> memref<128xi32, #tpu.memory_space<vmem>>
        %dma_wait3A_253 = arith.constant 640 : i32
        %dma_wait3A_254 = tpu.memref_slice %arg8[%dma_wait3A_253] : memref<896xi32, #tpu.memory_space<vmem>> -> memref<128xi32, #tpu.memory_space<vmem>>
        %dma_wait3A_255 = arith.constant 0 : i32
        %dma_wait3A_256 = tpu.memref_slice %arg2[%dma_wait3A_255] : memref<800000xi32, #tpu.memory_space<hbm>> -> memref<800000xi32, #tpu.memory_space<hbm>>
        tpu.wait_indirect_dma semaphore(%arg16 : memref<!tpu.dma_semaphore, #tpu.memory_space<semaphore_mem>>) src(%dma_wait3A_256 : memref<800000xi32, #tpu.memory_space<hbm>>) dst(%dma_wait3A_252 : memref<128xi32, #tpu.memory_space<vmem>>)
        %dma_wait3A_257 = arith.constant 640 : i32
        %dma_wait3A_258 = arith.constant 0 : i32
        %dma_wait3A_259 = tpu.memref_slice %arg12[%dma_wait3A_257, %dma_wait3A_258] : memref<896x16xf32, #tpu.memory_space<vmem>> -> memref<128x16xf32, #tpu.memory_space<vmem>>
        %dma_wait3A_260 = arith.constant 640 : i32
        %dma_wait3A_261 = tpu.memref_slice %arg8[%dma_wait3A_260] : memref<896xi32, #tpu.memory_space<vmem>> -> memref<128xi32, #tpu.memory_space<vmem>>
        %dma_wait3A_262 = arith.constant 0 : i32
        %dma_wait3A_263 = arith.constant 0 : i32
        %dma_wait3A_264 = tpu.memref_slice %arg3[%dma_wait3A_262, %dma_wait3A_263] : memref<800000x16xf32, #tpu.memory_space<hbm>> -> memref<800000x16xf32, #tpu.memory_space<hbm>>
        tpu.wait_indirect_dma semaphore(%arg16 : memref<!tpu.dma_semaphore, #tpu.memory_space<semaphore_mem>>) src(%dma_wait3A_264 : memref<800000x16xf32, #tpu.memory_space<hbm>>) dst(%dma_wait3A_259 : memref<128x16xf32, #tpu.memory_space<vmem>>)
        %dma_wait3A_265 = arith.constant 768 : i32
        %dma_wait3A_266 = tpu.memref_slice %arg10[%dma_wait3A_265] : memref<896xi32, #tpu.memory_space<vmem>> -> memref<128xi32, #tpu.memory_space<vmem>>
        %dma_wait3A_267 = arith.constant 768 : i32
        %dma_wait3A_268 = tpu.memref_slice %arg8[%dma_wait3A_267] : memref<896xi32, #tpu.memory_space<vmem>> -> memref<128xi32, #tpu.memory_space<vmem>>
        %dma_wait3A_269 = arith.constant 0 : i32
        %dma_wait3A_270 = tpu.memref_slice %arg2[%dma_wait3A_269] : memref<800000xi32, #tpu.memory_space<hbm>> -> memref<800000xi32, #tpu.memory_space<hbm>>
        tpu.wait_indirect_dma semaphore(%arg16 : memref<!tpu.dma_semaphore, #tpu.memory_space<semaphore_mem>>) src(%dma_wait3A_270 : memref<800000xi32, #tpu.memory_space<hbm>>) dst(%dma_wait3A_266 : memref<128xi32, #tpu.memory_space<vmem>>)
        %dma_wait3A_271 = arith.constant 768 : i32
        %dma_wait3A_272 = arith.constant 0 : i32
        %dma_wait3A_273 = tpu.memref_slice %arg12[%dma_wait3A_271, %dma_wait3A_272] : memref<896x16xf32, #tpu.memory_space<vmem>> -> memref<128x16xf32, #tpu.memory_space<vmem>>
        %dma_wait3A_274 = arith.constant 768 : i32
        %dma_wait3A_275 = tpu.memref_slice %arg8[%dma_wait3A_274] : memref<896xi32, #tpu.memory_space<vmem>> -> memref<128xi32, #tpu.memory_space<vmem>>
        %dma_wait3A_276 = arith.constant 0 : i32
        %dma_wait3A_277 = arith.constant 0 : i32
        %dma_wait3A_278 = tpu.memref_slice %arg3[%dma_wait3A_276, %dma_wait3A_277] : memref<800000x16xf32, #tpu.memory_space<hbm>> -> memref<800000x16xf32, #tpu.memory_space<hbm>>
        tpu.wait_indirect_dma semaphore(%arg16 : memref<!tpu.dma_semaphore, #tpu.memory_space<semaphore_mem>>) src(%dma_wait3A_278 : memref<800000x16xf32, #tpu.memory_space<hbm>>) dst(%dma_wait3A_273 : memref<128x16xf32, #tpu.memory_space<vmem>>)
        %mul3A_279 = arith.constant 896 : i32
        %mul3A_280 = arith.muli %add3A_60, %mul3A_279 : i32
        %add3A_281 = arith.addi %mul3A_2, %mul3A_280 : i32
        %multiple_of3A_282 = tpu.assume_multiple %add3A_281, 8 : i32
        %dma_start3A_283 = tpu.memref_slice %arg5[%multiple_of3A_282] : memref<802816xi32, #tpu.memory_space<hbm>> -> memref<896xi32, #tpu.memory_space<hbm>>
        %dma_start3A_284 = tpu.memref_slice %arg5[%multiple_of3A_282] : memref<802816xi32, #tpu.memory_space<hbm>> -> memref<896xi32, #tpu.memory_space<hbm>>
        tpu.enqueue_dma source(%arg10 : memref<896xi32, #tpu.memory_space<vmem>>) target(%dma_start3A_284 : memref<896xi32, #tpu.memory_space<hbm>>) target_semaphore(%arg18 : memref<!tpu.dma_semaphore, #tpu.memory_space<semaphore_mem>>)
        %mul3A_285 = arith.constant 896 : i32
        %mul3A_286 = arith.muli %add3A_60, %mul3A_285 : i32
        %add3A_287 = arith.addi %mul3A_2, %mul3A_286 : i32
        %multiple_of3A_288 = tpu.assume_multiple %add3A_287, 8 : i32
        %dma_start3A_289 = arith.constant 0 : i32
        %dma_start3A_290 = tpu.memref_slice %arg6[%multiple_of3A_288, %dma_start3A_289] : memref<802816x16xf32, #tpu.memory_space<hbm>> -> memref<896x16xf32, #tpu.memory_space<hbm>>
        %dma_start3A_291 = arith.constant 0 : i32
        %dma_start3A_292 = tpu.memref_slice %arg6[%multiple_of3A_288, %dma_start3A_291] : memref<802816x16xf32, #tpu.memory_space<hbm>> -> memref<896x16xf32, #tpu.memory_space<hbm>>
        tpu.enqueue_dma source(%arg12 : memref<896x16xf32, #tpu.memory_space<vmem>>) target(%dma_start3A_292 : memref<896x16xf32, #tpu.memory_space<hbm>>) target_semaphore(%arg18 : memref<!tpu.dma_semaphore, #tpu.memory_space<semaphore_mem>>)
      } else {
      }
    }
    %scan3A_10 = arith.constant 14 : i32
    %add3A_11 = arith.constant 23296 : i32
    %add3A_12 = arith.addi %mul3A_2, %add3A_11 : i32
    %multiple_of3A_13 = tpu.assume_multiple %add3A_12, 8 : i32
    %dma_wait3A = tpu.memref_slice %arg5[%multiple_of3A_13] : memref<802816xi32, #tpu.memory_space<hbm>> -> memref<896xi32, #tpu.memory_space<hbm>>
    %dma_wait3A_14 = tpu.memref_slice %arg5[%multiple_of3A_13] : memref<802816xi32, #tpu.memory_space<hbm>> -> memref<896xi32, #tpu.memory_space<hbm>>
    tpu.wait_dma2 semaphore(%arg17 : memref<!tpu.dma_semaphore, #tpu.memory_space<semaphore_mem>>) src(%arg9 : memref<896xi32, #tpu.memory_space<vmem>>) dst(%dma_wait3A_14 : memref<896xi32, #tpu.memory_space<hbm>>)
    %add3A_15 = arith.constant 23296 : i32
    %add3A_16 = arith.addi %mul3A_2, %add3A_15 : i32
    %multiple_of3A_17 = tpu.assume_multiple %add3A_16, 8 : i32
    %dma_wait3A_18 = arith.constant 0 : i32
    %dma_wait3A_19 = tpu.memref_slice %arg6[%multiple_of3A_17, %dma_wait3A_18] : memref<802816x16xf32, #tpu.memory_space<hbm>> -> memref<896x16xf32, #tpu.memory_space<hbm>>
    %dma_wait3A_20 = arith.constant 0 : i32
    %dma_wait3A_21 = tpu.memref_slice %arg6[%multiple_of3A_17, %dma_wait3A_20] : memref<802816x16xf32, #tpu.memory_space<hbm>> -> memref<896x16xf32, #tpu.memory_space<hbm>>
    tpu.wait_dma2 semaphore(%arg17 : memref<!tpu.dma_semaphore, #tpu.memory_space<semaphore_mem>>) src(%arg11 : memref<896x16xf32, #tpu.memory_space<vmem>>) dst(%dma_wait3A_21 : memref<896x16xf32, #tpu.memory_space<hbm>>)
    %add3A_22 = arith.constant 24192 : i32
    %add3A_23 = arith.addi %mul3A_2, %add3A_22 : i32
    %multiple_of3A_24 = tpu.assume_multiple %add3A_23, 8 : i32
    %dma_wait3A_25 = tpu.memref_slice %arg5[%multiple_of3A_24] : memref<802816xi32, #tpu.memory_space<hbm>> -> memref<896xi32, #tpu.memory_space<hbm>>
    %dma_wait3A_26 = tpu.memref_slice %arg5[%multiple_of3A_24] : memref<802816xi32, #tpu.memory_space<hbm>> -> memref<896xi32, #tpu.memory_space<hbm>>
    tpu.wait_dma2 semaphore(%arg18 : memref<!tpu.dma_semaphore, #tpu.memory_space<semaphore_mem>>) src(%arg10 : memref<896xi32, #tpu.memory_space<vmem>>) dst(%dma_wait3A_26 : memref<896xi32, #tpu.memory_space<hbm>>)
    %add3A_27 = arith.constant 24192 : i32
    %add3A_28 = arith.addi %mul3A_2, %add3A_27 : i32
    %multiple_of3A_29 = tpu.assume_multiple %add3A_28, 8 : i32
    %dma_wait3A_30 = arith.constant 0 : i32
    %dma_wait3A_31 = tpu.memref_slice %arg6[%multiple_of3A_29, %dma_wait3A_30] : memref<802816x16xf32, #tpu.memory_space<hbm>> -> memref<896x16xf32, #tpu.memory_space<hbm>>
    %dma_wait3A_32 = arith.constant 0 : i32
    %dma_wait3A_33 = tpu.memref_slice %arg6[%multiple_of3A_29, %dma_wait3A_32] : memref<802816x16xf32, #tpu.memory_space<hbm>> -> memref<896x16xf32, #tpu.memory_space<hbm>>
    tpu.wait_dma2 semaphore(%arg18 : memref<!tpu.dma_semaphore, #tpu.memory_space<semaphore_mem>>) src(%arg12 : memref<896x16xf32, #tpu.memory_space<vmem>>) dst(%dma_wait3A_33 : memref<896x16xf32, #tpu.memory_space<hbm>>)
    return
  }
}

</mosaic_0001>

<sc_bundles>
// kernel: kernel.3.cloned.1.call-start
scs
__scs_entry_jumppad:
0x0: {  	(pc) =	sbr.rel $0x88, $3  }
0x1: {  	(tag) =	ssettag $0x0;
	lr =	simm.s32 $0x1  }
0x2: {  	[smem:$0x3F9F] =	sst lr;
	_ =	strace $0xD0000000  }
0x3: {  	_ = 	snop  }
0x4: {  	_ = 	snop  }
0x5: {  	_ = 	snop  }
0x6: {  	_ = 	snop  }
0x7: {  	_ = 	snop  }
__scs_overlays_trampoline_lowered:
0x8: {  	[smem:$0x3FAE] =	sst s0  }
0x9: {  	[smem:$0x3FAF] =	sst s1  }
0xa: {  	[smem:$0x3FB0] =	sst s2  }
0xb: {  	[smem:$0x3FB1] =	sst s3  }
0xc: {  	[smem:$0x3FB2] =	sst s4  }
0xd: {  	[smem:$0x3FB3] =	sst s5  }
0xe: {  	[smem:$0x3FB4] =	sst s6  }
0xf: {  	[smem:$0x3FB5] =	sst s7  }
0x10: {  	[smem:$0x3FB6] =	sst s8  }
0x11: {  	[smem:$0x3FB7] =	sst s9;
	s0 =	simm.s32 @!p0 $0x0  }
0x12: {  	s1 =	sld [smem:$0x3F9D];
	s0 =	simm.s32 @p0 $0x1  }
0x13: {  	[smem:$0x3FB8] =	sst s0;
	s0 =	simm.s32 @!p1 $0x0  }
0x14: {  	s2 =	sld [smem:$0x3F9C];
	s0 =	simm.s32 @p1 $0x1  }
0x15: {  	[smem:$0x3FB9] =	sst s0;
	s0 =	simm.s32 @!p2 $0x0  }
0x16: {  	s3 =	sld [smem:$0x3FDB];
	s0 =	simm.s32 @p2 $0x1  }
0x17: {  	s4 =	simm.s32 $0x1BF5;
	[smem:$0x3FBB] =	sst s0  }
0x18: {  	s0 =	sld [smem:$0x3F9E];
	_ =	swait.ge [sflag:s4], $0x0  }
0x19: {  	s7 =	sld [smem:$0x3F9F]  }
0x1a: {  	s8 =	sadd.s32 $0xFFFFE003, lr  }
0x1b: {  	s9 =	sadd.s32 $0xFFFFFEF7, lr;
	s5 =	simm.s32 $0xFFFFFFFF;
	p2 =	slt.u32 s8, $0xFFFFF086  }
0x1c: {  	p1 =	slt.u32 s9, $0xF7A;
	s5 =	simm.s32 @!p2 $0x0  }
0x1d: {  	s5 =	simm.s32 @p1 $0x1;
	p0 =	seq.s32 s7, s2  }
0x1e: {  	s7 =	smul.u32 @!p0 $0xF7A, s2;
	p2 =	seq.s32 @!p0 s5, $0x0  }
0x1f: {  	s9 =	smul.u32 $0xF7A, s1;
	s8 =	simm.s32 @!p0 $0x1BF5;
	p2 =	por !p2, p0  }
0x20: {  	[sflag:s8] =	ssyncset.s32 @!p0 $0xFFFFF086;
	s6 =	sadd.s32 @!p0 s3, s7;
	s7 =	simm.s32 @!p0 $0x108  }
0x21: {  	s3 =	sadd.s32 s3, s9;
	s6 =	sadd.s32 @!p0 $0x88, s6;
	s7 =	simm.s32 @p2 $0x1082  }
0x22: {  	[simem:s7], [sflag:s8] =	dma.local @!p0 [hbm:s6], $0xF7A  }
0x23: {  	s9 =	sor.u32 $0xD0000000, s2;
	s6 =	simm.s32 $0x108;
	_ =	swait.ge @!p0 [sflag:s8], $0x0  }
0x24: {  	s3 =	sadd.s32 $0x88, s3;
	s6 =	simm.s32 @!p1 $0x1082;
	[sflag:s4] =	ssyncset.s32 $0xFFFFF086  }
0x25: {  	[simem:s6], [sflag:s4] =	dma.local [hbm:s3], $0xF7A  }
0x26: {  	[smem:$0x3F9F] =	sst s1;
	(tag) =	ssettag s2;
	_ =	strace s9  }
0x27: {  	s1 =	sld [smem:$0x3FAF]  }
0x28: {  	s2 =	sld [smem:$0x3FB0]  }
0x29: {  	s4 =	sld [smem:$0x3FB2]  }
0x2a: {  	p0 =	seq.s32 s5, $0x0;
	s5 =	sld [smem:$0x3FB3]  }
0x2b: {  	s6 =	sld [smem:$0x3FB4]  }
0x2c: {  	s7 =	sld [smem:$0x3FB5]  }
0x2d: {  	s3 =	simm.s32 $0x108;
	s8 =	sld [smem:$0x3FB6]  }
0x2e: {  	s3 =	simm.s32 @!p0 $0x1082;
	s9 =	sld [smem:$0x3FB7]  }
0x2f: {  	lr =	sadd.s32 s0, s3;
	s0 =	sld [smem:$0x3FAE]  }
0x30: {  	s3 =	sld [smem:$0x3FB1]  }
0x31: {  	[smem:$0x3FBA] =	sst s10  }
0x32: {  	s10 =	sld [smem:$0x3FB8];
	_ =	sdelay $0x3  }
0x33: {  	p0 =	seq.s32 s10, $0x1;
	s10 =	sld [smem:$0x3FBA];
	_ =	sdelay $0x3  }
0x34: {  	[smem:$0x3FBA] =	sst s10  }
0x35: {  	s10 =	sld [smem:$0x3FB9];
	_ =	sdelay $0x3  }
0x36: {  	p1 =	seq.s32 s10, $0x1;
	s10 =	sld [smem:$0x3FBA];
	_ =	sdelay $0x3  }
0x37: {  	[smem:$0x3FBA] =	sst s10  }
0x38: {  	s10 =	sld [smem:$0x3FBB]  }
0x39: {  	_ = 	snop;
	(pc) =	sbr.ind lr, $3  }
0x3a: {  	_ = 	snop  }
0x3b: {  	_ = 	snop  }
0x3c: {  	p2 =	seq.s32 s10, $0x1;
	s10 =	sld [smem:$0x3FBA]  }
0x3d: {  	_ =	shalt  }
0x3e: {  	_ =	shalt  }
0x3f: {  	_ =	shalt  }
0x40: {  	_ =	shalt  }
0x41: {  	_ =	shalt  }
0x42: {  	_ =	shalt  }
0x43: {  	_ =	shalt  }
0x44: {  	_ =	shalt  }
0x45: {  	_ =	shalt  }
0x46: {  	_ =	shalt  }
0x47: {  	_ =	shalt  }
0x48: {  	_ =	shalt  }
0x49: {  	_ =	shalt  }
0x4a: {  	_ =	shalt  }
0x4b: {  	_ =	shalt  }
0x4c: {  	_ =	shalt  }
0x4d: {  	_ =	shalt  }
0x4e: {  	_ =	shalt  }
0x4f: {  	_ =	shalt  }
0x50: {  	_ =	shalt  }
0x51: {  	_ =	shalt  }
0x52: {  	_ =	shalt  }
0x53: {  	_ =	shalt  }
0x54: {  	_ =	shalt  }
0x55: {  	_ =	shalt  }
0x56: {  	_ =	shalt  }
0x57: {  	_ =	shalt  }
0x58: {  	_ =	shalt  }
0x59: {  	_ =	shalt  }
0x5a: {  	_ =	shalt  }
0x5b: {  	_ =	shalt  }
0x5c: {  	_ =	shalt  }
0x5d: {  	_ =	shalt  }
0x5e: {  	_ =	shalt  }
0x5f: {  	_ =	shalt  }
0x60: {  	_ =	shalt  }
0x61: {  	_ =	shalt  }
0x62: {  	_ =	shalt  }
0x63: {  	_ =	shalt  }
0x64: {  	_ =	shalt  }
0x65: {  	_ =	shalt  }
0x66: {  	_ =	shalt  }
0x67: {  	_ =	shalt  }
0x68: {  	_ =	shalt  }
0x69: {  	_ =	shalt  }
0x6a: {  	_ =	shalt  }
0x6b: {  	_ =	shalt  }
0x6c: {  	_ =	shalt  }
0x6d: {  	_ =	shalt  }
0x6e: {  	_ =	shalt  }
0x6f: {  	_ =	shalt  }
0x70: {  	_ =	shalt  }
0x71: {  	_ =	shalt  }
0x72: {  	_ =	shalt  }
0x73: {  	_ =	shalt  }
0x74: {  	_ =	shalt  }
0x75: {  	_ =	shalt  }
0x76: {  	_ =	shalt  }
0x77: {  	_ =	shalt  }
0x78: {  	_ =	shalt  }
0x79: {  	_ =	shalt  }
0x7a: {  	_ =	shalt  }
0x7b: {  	_ =	shalt  }
0x7c: {  	_ =	shalt  }
0x7d: {  	_ =	shalt  }
0x7e: {  	_ =	shalt  }
0x7f: {  	_ =	shalt  }
0x80: {  	_ =	shalt  }
0x81: {  	_ =	shalt  }
0x82: {  	_ =	shalt  }
0x83: {  	_ =	shalt  }
0x84: {  	_ =	shalt  }
0x85: {  	_ =	shalt  }
0x86: {  	_ =	shalt  }
0x87: {  	_ =	shalt  }
.Lfunc_end0:
.L_simem_size_0:
called_computation_lowered:
.L_overlay_start_0:
0x88: {  	s2 =	sld [smem:$0x3FD9]  }
0x89: {  	s3 =	sld [smem:$0x3FFE];
	_ =	sdelay $0x1  }
0x8a: {  	s1 =	srdreg.scid  }
0x8b: {  	s0 =	sand.u32 $0x1, s1  }
0x8c: {  	s16 =	sshll.u32 s0, $0xA;
	s2 =	sadd.s32 s3, s2  }
0x8d: {  	s2 =	sadd.s32 s2, s16  }
0x8e: {  	[smem:$0x3FC6] =	sst s2  }
0x8f: {  	_ = 	snop  }
0x90: {  	(tm) =	ssettm $0x1  }
0x91: {  	s17 =	sld [smem:$0x3FFB];
	_ =	sdelay $0x3  }
0x92: {  	_ =	strace s17  }
0x93: {  	s2 =	sld [smem:$0x3FFC];
	_ =	sdelay $0x3  }
0x94: {  	_ =	strace s2  }
0x95: {  	s2 =	sld [smem:$0x3FFD];
	_ =	sdelay $0x3  }
0x96: {  	_ =	strace s2  }
0x97: {  	_ =	strace $0x8FFFFFFF  }
0x98: {  	s18 =	sld [smem:$0x3FDB];
	_ =	sdelay $0x1  }
0x99: {  	s19 =	simm.s32 $_scs_section_size  }
0x9a: {  	s4 =	simm.s32 $_size__tile_overlayer_lowered;
	s5 =	simm.s32 $_tile_overlayer_lowered  }
0x9b: {  	s22 =	simm.s32 $0x1BFF;
	s21 =	sshll.u32 s5, $0x1;
	s2 =	sadd.s32 s19, s18  }
0x9c: {  	s6 =	simm.s32 $0x0;
	s20 =	sshll.u32 s4, $0x1;
	s4 =	sadd.s32 s21, s2  }
0x9d: {  	[timem:s6], [sflag:s22] =	dma.local [hbm:s4], s20  }
0x9e: {  	_ =	swait.ge [sflag:s22], s20  }
0x9f: {  	s3 =	ssub.s32 $0x0, s20;
	[sflag:s22] =	ssyncset.done $0x0  }
0xa0: {  	[sflag:s22] =	ssyncadd.s32 s3;
	_ =	sdelay $0x1  }
0xa1: {  	s23 =	simm.s32 $0x1B8B  }
0xa2: {  	_ =	swait.ge [sflag:s23], $0x1  }
0xa3: {  	[sflag:s23] =	ssyncset.done $0x0  }
0xa4: {  	s25 =	simm.s32 $0x1B8E;
	s24 =	sld [smem:$0x3FFE];
	[sflag:s23] =	ssyncadd.s32 $0xFFFFFFFF  }
0xa5: {  	s26 =	simm.s32 $execute0_lowered;
	[smem:$0x3FD2] =	sst s25  }
0xa6: {  	s4 =	sshll.u32 s26, $0x1;
	_ =	strace $0x80000046;
	[dreg:$0x1] =	wrdreg $0xFFFFFFFF  }
0xa7: {  	s28 =	simm.s32 $_size_execute0_lowered;
	s2 =	sadd.s32 s2, s4;
	[dreg:$0x0] =	wrdreg $0x0  }
0xa8: {  	s4 =	sshll.u32 s28, $0x1;
	[dreg:$0x2] =	wrdreg s2  }
0xa9: {  	[dreg:$0x3] =	wrdreg s4  }
0xaa: {  	[dreg:$0x4] =	wrdreg $0xC0  }
0xab: {  	_ =	task [dreg:s6], $0x5FFFF  }
0xac: {  	[dreg:$0x1] =	wrdreg $0xFFFFFFFF  }
0xad: {  	[dreg:$0x0] =	wrdreg $0x60  }
0xae: {  	[dreg:$0x2] =	wrdreg s24  }
0xaf: {  	[dreg:$0x3] =	wrdreg $0x9  }
0xb0: {  	_ =	task.clear_ibuf [dreg:s6], $0x4FFFF;
	_ =	strace $0x90000046  }
0xb1: {  	s29 =	simm.s32 $0x9;
	_ =	strace $0x80000048  }
0xb2: {  	_ =	swait.ge [sflag:s29], $0x1  }
0xb3: {  	[sflag:s29] =	ssyncadd.s32 $0xFFFFFFFF  }
0xb4: {  	_ =	strace $0x90000048  }
0xb5: {  	_ =	sfence  }
0xb6: {  	s30 =	sld [smem:$0x0];
	_ =	sdelay $0x2  }
0xb7: {  	s31 =	sshll.u32 s1, $0xD;
	s1 =	sshrl.u32 s1, $0x2  }
0xb8: {  	s3 =	sand.u32 $0x4000, s31;
	s1 =	sadd.s32 s1, s30  }
0xb9: {  	s0 =	sor.u32 s3, s0;
	s1 =	sshll.u32 s1, $0x11  }
0xba: {  	s0 =	sor.u32 s1, s0  }
0xbb: {  	s0 =	sadd.s32 $0x8F2B, s0  }
0xbc: {  	[sflag:s0] =	ssyncadd.remote.s32 $0x1  }
0xbd: {  	_ =	sfence.sel $0xFFFF  }
0xbe: {  	[dreg:$0x0] =	wrdreg $0xFFFFFFFF;
	(pc) =	sbr.abs _section_cstart, $3  }
0xbf: {  	[dreg:$0x1] =	wrdreg $0xFFFFFFFF  }
0xc0: {  	_ =	task.clear_ibuf [dreg:s6], $0x2FFFF;
	_ =	strace $0x9FFFFFFF  }
0xc1: {  	(tm) =	ssettm $0x7FFFFFFF  }
tec
execute0_lowered:
.L_overlay_start_1:
0x0: {  	(tag) =	ssettag $0x1  }
0x1: {  	s0 =	rddreg [dreg:$0x0]  }
0x2: {  	s2 =	simm.s32 $0x0;
	s1 =	srdreg.scid;
	s11 =	stileid.u32  }
0x3: {  	s14 =	simm.s32 $0x380;
	s15 =	simm.s32 $0x1;
	s16 =	simm.s32 $0x80  }
0x4: {  	s21 =	simm.s32 $0x700;
	s31 =	simm.s32 $0x280;
	s19 =	simm.s32 $0xA80  }
0x5: {  	s20 =	simm.s32 $0x4600;
	s22 =	simm.s32 $0x400;
	s29 =	simm.s32 $0x600  }
0x6: {  	s30 =	simm.s32 $0x4;
	[smem:$0x7FF] =	sst s2;
	s1 =	sand.u32 $0x1, s1  }
0x7: {  	s4 =	sshll.u32 s11, $0x1;
	s12 =	sadd.s32 $0x1B7A00, s0;
	s8 =	smul.u32 $0xC400, s11  }
0x8: {  	s3 =	sadd.s32 $0x18800, s0;
	s6 =	sadd.s32 $0x358200, s0;
	s23 =	smul.u32 $0x18800, s11  }
0x9: {  	s11 =	simm.s32 $0x2;
	_ =	strace $0x80000047;
	s5 =	sor.u32 s1, s4  }
0xa: {  	s4 =	sadd.s32 $0x31000, s0;
	s7 =	ssub.s32 $0x2, s1;
	s10 =	smul.u32 $0x6200, s1  }
0xb: {  	s0 =	sadd.s32 $0x1D0200, s0;
	s1 =	smul.u32 $0xC400, s1;
	[dreg:$0x2] =	wrdreg s12  }
0xc: {  	s5 =	smul.u32 $0x6200, s5;
	s9 =	sshrl.u32 s7, $0x1;
	s25 =	sadd.s32 s23, s0  }
0xd: {  	s7 =	ssub.s32 s7, s9;
	s24 =	sadd.s32 s10, s8;
	s1 =	sadd.s32 s1, s25  }
0xe: {  	s10 =	simm.s32 $0x3;
	s9 =	simm.s32 $0x0;
	s5 =	sshrl.u32 s5, $0x3  }
0xf: {  	s7 =	smax.u32 s7, $0x1;
	s8 =	sshrl.u32 s24, $0x3;
	[dreg:$0x5] =	wrdreg s1  }
0x10: {  	s26 =	sadd.s32 $0x380, s24;
	s5 =	sadd.s32 s12, s5;
	[dreg:$0x4] =	wrdreg s7  }
0x11: {  	s13 =	sadd.s32 s8, s6;
	s28 =	sshll.u32 s26, $0x1;
	s1 =	sshrl.u32 s26, $0x3  }
.Ltmp0:
0x12: {  	s26 =	simm.s32 $0x480;
	s8 =	simm.s32 $0x580;
	(pc) =	sbr.rel .LBB2_1-.Ltmp0, $4  }
0x13: {  	s7 =	simm.s32 $0x680;
	[dreg:$0x3] =	wrdreg s5;
	s5 =	sadd.s32 $0x700, s24  }
0x14: {  	s0 =	sadd.s32 s28, s0;
	s17 =	sadd.s32 s1, s6;
	s18 =	sadd.s32 s1, s12  }
0x15: {  	s6 =	simm.s32 $0x300;
	s24 =	simm.s32 $0xE00;
	[dreg:$0x6] =	wrdreg s5  }
0x16: {  	[dreg:$0x7] =	wrdreg s0;
	s5 =	simm.s32 $0x6;
	s0 =	simm.s32 $0x500  }
.LBB2_7:
0x17: {  	s1 =	simm.s32 $0x5  }
0x18: {  	_ =	swait.ge [sflag:s1], $0x380  }
0x19: {  	[sflag:s1] =	ssyncset.done $0x0  }
0x1a: {  	[sflag:s1] =	ssyncadd.s32 $0xFFFFFC80  }
0x1b: {  	_ =	swait.ge [sflag:s1], $0x3800  }
0x1c: {  	[sflag:s1] =	ssyncset.done $0x0  }
0x1d: {  	[sflag:s1] =	ssyncadd.s32 $0xFFFFC800  }
0x1e: {  	_ =	swait.ge [sflag:s5], $0x380  }
0x1f: {  	[sflag:s5] =	ssyncset.done $0x0  }
0x20: {  	[sflag:s5] =	ssyncadd.s32 $0xFFFFFC80  }
0x21: {  	_ =	swait.ge [sflag:s5], $0x3800  }
0x22: {  	s9 =	rddreg [dreg:$0x8]  }
0x23: {  	s28 =	rddreg [dreg:$0x4];
	s9 =	sadd.s32 $0x1, s9  }
0x24: {  	p0 =	sne.s32 s9, s28  }
.Ltmp1:
0x25: {  	_ = 	snop;
	(pc) =	sbr.rel @!p0 .LBB2_8-.Ltmp1, $3  }
0x26: {  	_ =	sdelay $0x1  }
0x27: {  	[sflag:s5] =	ssyncset.done $0x0  }
0x28: {  	[sflag:s5] =	ssyncadd.s32 $0xFFFFC800  }
.LBB2_1:
0x29: {  	[dreg:$0x8] =	wrdreg s9  }
.Ltmp2:
0x2a: {  	s1 =	rddreg [dreg:$0x3];
	(pc) =	sbr.rel .LBB2_2-.Ltmp2, $4  }
0x2b: {  	s23 =	rddreg [dreg:$0x6]  }
0x2c: {  	s25 =	rddreg [dreg:$0x5]  }
0x2d: {  	[tilespmem:s2], [sflag:$0x1] =	stream.linear.gather [hbm4b:s1+s2], $0x380, $0x38;
	[tilespmem:$0x7E00] =	vst v63  }
0x2e: {  	s9 =	simm.s32 $0x0;
	s1 =	rddreg [dreg:$0x7]  }
.LBB2_3:
0x2f: {  	_ =	swait.ge [sflag:s11], $0x380  }
0x30: {  	[sflag:s11] =	ssyncset.done $0x0  }
0x31: {  	[sflag:s11] =	ssyncadd.s32 $0xFFFFFC80  }
.LBB2_5:
0x32: {  	_ =	swait.ge [sflag:s5], $0x380  }
0x33: {  	[sflag:s5] =	ssyncset.done $0x0  }
0x34: {  	[sflag:s5] =	ssyncadd.s32 $0xFFFFFC80  }
0x35: {  	_ =	swait.ge [sflag:s5], $0x3800  }
0x36: {  	[sflag:s5] =	ssyncset.done $0x0  }
0x37: {  	[sflag:s5] =	ssyncadd.s32 $0xFFFFC800  }
.LBB2_6:
0x38: {  	[tilespmem:s19], [sflag:$0x4] =	stream.indirect.gather [hbm4b:s3+s16], $0x1, s14, s16, $0xb8;
	[tilespmem:$0x7E00] =	vst v63  }
0x39: {  	_ = 	snop  }
0x3a: {  	[tilespmem:s20], [sflag:$0x4] =	stream.indirect.gather [hbm4b:s4+s16], $0x10, s14, s16, $0xb8;
	[tilespmem:$0x7E00] =	vst v63  }
0x3b: {  	s12 =	simm.s32 $0xB00  }
0x3c: {  	[tilespmem:s12], [sflag:$0x4] =	stream.indirect.gather [hbm4b:s3+s16], $0x1, s22, s16, $0xb8;
	[tilespmem:$0x7E00] =	vst v63  }
0x3d: {  	s28 =	simm.s32 $0x4E00  }
0x3e: {  	[tilespmem:s28], [sflag:$0x4] =	stream.indirect.gather [hbm4b:s4+s16], $0x10, s22, s16, $0xb8;
	[tilespmem:$0x7E00] =	vst v63  }
0x3f: {  	s28 =	simm.s32 $0xB80  }
0x40: {  	[tilespmem:s28], [sflag:$0x4] =	stream.indirect.gather [hbm4b:s3+s16], $0x1, s26, s16, $0xb8;
	[tilespmem:$0x7E00] =	vst v63  }
0x41: {  	s28 =	simm.s32 $0x5600  }
0x42: {  	[tilespmem:s28], [sflag:$0x4] =	stream.indirect.gather [hbm4b:s4+s16], $0x10, s26, s16, $0xb8;
	[tilespmem:$0x7E00] =	vst v63  }
0x43: {  	s28 =	simm.s32 $0xC00  }
0x44: {  	[tilespmem:s28], [sflag:$0x4] =	stream.indirect.gather [hbm4b:s3+s16], $0x1, s0, s16, $0xb8;
	[tilespmem:$0x7E00] =	vst v63  }
0x45: {  	s28 =	simm.s32 $0x5E00  }
0x46: {  	[tilespmem:s28], [sflag:$0x4] =	stream.indirect.gather [hbm4b:s4+s16], $0x10, s0, s16, $0xb8;
	[tilespmem:$0x7E00] =	vst v63  }
0x47: {  	s28 =	simm.s32 $0xC80  }
0x48: {  	[tilespmem:s28], [sflag:$0x4] =	stream.indirect.gather [hbm4b:s3+s16], $0x1, s8, s16, $0xb8;
	[tilespmem:$0x7E00] =	vst v63  }
0x49: {  	s28 =	simm.s32 $0x6600  }
0x4a: {  	[tilespmem:s28], [sflag:$0x4] =	stream.indirect.gather [hbm4b:s4+s16], $0x10, s8, s16, $0xb8;
	[tilespmem:$0x7E00] =	vst v63  }
0x4b: {  	s28 =	simm.s32 $0xD00  }
0x4c: {  	[tilespmem:s28], [sflag:$0x4] =	stream.indirect.gather [hbm4b:s3+s16], $0x1, s29, s16, $0xb8;
	[tilespmem:$0x7E00] =	vst v63  }
0x4d: {  	s28 =	simm.s32 $0x6E00  }
0x4e: {  	[tilespmem:s28], [sflag:$0x4] =	stream.indirect.gather [hbm4b:s4+s16], $0x10, s29, s16, $0xb8;
	[tilespmem:$0x7E00] =	vst v63  }
0x4f: {  	s28 =	simm.s32 $0xD80  }
0x50: {  	[tilespmem:s28], [sflag:$0x4] =	stream.indirect.gather [hbm4b:s3+s16], $0x1, s7, s16, $0xb8;
	[tilespmem:$0x7E00] =	vst v63  }
0x51: {  	s28 =	simm.s32 $0x7600  }
0x52: {  	[tilespmem:s28], [sflag:$0x4] =	stream.indirect.gather [hbm4b:s4+s16], $0x10, s7, s16, $0xb8;
	[tilespmem:$0x7E00] =	vst v63  }
0x53: {  	_ =	swait.ge [sflag:s30], $0x80  }
0x54: {  	[sflag:s30] =	ssyncset.done $0x0  }
0x55: {  	[sflag:s30] =	ssyncadd.s32 $0xFFFFFF80  }
0x56: {  	_ =	swait.ge [sflag:s30], $0x800  }
0x57: {  	[sflag:s30] =	ssyncset.done $0x0  }
0x58: {  	[sflag:s30] =	ssyncadd.s32 $0xFFFFF800  }
0x59: {  	_ =	swait.ge [sflag:s30], $0x80  }
0x5a: {  	[sflag:s30] =	ssyncset.done $0x0  }
0x5b: {  	[sflag:s30] =	ssyncadd.s32 $0xFFFFFF80  }
0x5c: {  	_ =	swait.ge [sflag:s30], $0x800  }
0x5d: {  	[sflag:s30] =	ssyncset.done $0x0  }
0x5e: {  	[sflag:s30] =	ssyncadd.s32 $0xFFFFF800  }
0x5f: {  	_ =	swait.ge [sflag:s30], $0x80  }
0x60: {  	[sflag:s30] =	ssyncset.done $0x0  }
0x61: {  	[sflag:s30] =	ssyncadd.s32 $0xFFFFFF80  }
0x62: {  	_ =	swait.ge [sflag:s30], $0x800  }
0x63: {  	[sflag:s30] =	ssyncset.done $0x0  }
0x64: {  	[sflag:s30] =	ssyncadd.s32 $0xFFFFF800  }
0x65: {  	_ =	swait.ge [sflag:s30], $0x80  }
0x66: {  	[sflag:s30] =	ssyncset.done $0x0  }
0x67: {  	[sflag:s30] =	ssyncadd.s32 $0xFFFFFF80  }
0x68: {  	_ =	swait.ge [sflag:s30], $0x800  }
0x69: {  	[sflag:s30] =	ssyncset.done $0x0  }
0x6a: {  	[sflag:s30] =	ssyncadd.s32 $0xFFFFF800  }
0x6b: {  	_ =	swait.ge [sflag:s30], $0x80  }
0x6c: {  	[sflag:s30] =	ssyncset.done $0x0  }
0x6d: {  	[sflag:s30] =	ssyncadd.s32 $0xFFFFFF80  }
0x6e: {  	_ =	swait.ge [sflag:s30], $0x800  }
0x6f: {  	[sflag:s30] =	ssyncset.done $0x0  }
0x70: {  	[sflag:s30] =	ssyncadd.s32 $0xFFFFF800  }
0x71: {  	_ =	swait.ge [sflag:s30], $0x80  }
0x72: {  	[sflag:s30] =	ssyncset.done $0x0  }
0x73: {  	[sflag:s30] =	ssyncadd.s32 $0xFFFFFF80  }
0x74: {  	_ =	swait.ge [sflag:s30], $0x800  }
0x75: {  	[sflag:s30] =	ssyncset.done $0x0  }
0x76: {  	[sflag:s30] =	ssyncadd.s32 $0xFFFFF800  }
0x77: {  	_ =	swait.ge [sflag:s30], $0x80  }
0x78: {  	[sflag:s30] =	ssyncset.done $0x0  }
0x79: {  	[sflag:s30] =	ssyncadd.s32 $0xFFFFFF80  }
0x7a: {  	s28 =	sadd.s32 s9, s17;
	s9 =	sadd.s32 $0xE0, s9;
	_ =	swait.ge [sflag:s30], $0x800  }
0x7b: {  	p0 =	sne.s32 s9, $0xC40;
	[sflag:s30] =	ssyncset.done $0x0  }
.Ltmp3:
0x7c: {  	[sflag:s30] =	ssyncadd.s32 $0xFFFFF800;
	(pc) =	sbr.rel @!p0 .LBB2_7-.Ltmp3, $4  }
0x7d: {  	[hbm4b:s28+s2] =	stream.linear.scatter [tilespmem:s19], [sflag:$0x6], $0x380, $0x38;
	[tilespmem:$0x7E00] =	vst v63  }
0x7e: {  	_ = 	snop  }
0x7f: {  	[hbm4b:s1+s2] =	stream.linear.scatter [tilespmem:s20], [sflag:$0x6], $0x3800, $0x38;
	[tilespmem:$0x7E00] =	vst v63  }
0x80: {  	s25 =	sadd.s32 $0xE00, s25;
	s23 =	sadd.s32 $0x700, s23;
	s1 =	sadd.s32 $0xE00, s1  }
.LBB2_2:
0x81: {  	s12 =	sadd.s32 s9, s18  }
0x82: {  	[tilespmem:s14], [sflag:$0x2] =	stream.linear.gather [hbm4b:s12+s2], $0x380, $0x38;
	[tilespmem:$0x7E00] =	vst v63  }
0x83: {  	_ =	swait.ge [sflag:s15], $0x380  }
0x84: {  	p0 =	seq.s32 s9, $0x0;
	[sflag:s15] =	ssyncset.done $0x0  }
0x85: {  	s12 =	simm.s32 @!p0 $0x5;
	[sflag:s15] =	ssyncadd.s32 $0xFFFFFC80  }
0x86: {  	_ =	swait.ge @!p0 [sflag:s12], $0x380  }
0x87: {  	[sflag:s12] =	ssyncset.done @!p0 $0x0  }
0x88: {  	[sflag:s12] =	ssyncadd.s32 @!p0 $0xFFFFFC80  }
0x89: {  	_ =	swait.ge @!p0 [sflag:s12], $0x3800  }
0x8a: {  	[sflag:s12] =	ssyncset.done @!p0 $0x0  }
0x8b: {  	[sflag:s12] =	ssyncadd.s32 @!p0 $0xFFFFC800  }
0x8c: {  	[tilespmem:s21], [sflag:$0x3] =	stream.indirect.gather [hbm4b:s3+s16], $0x1, s2, s16, $0xb8;
	[tilespmem:$0x7E00] =	vst v63  }
0x8d: {  	_ = 	snop  }
0x8e: {  	[tilespmem:s24], [sflag:$0x3] =	stream.indirect.gather [hbm4b:s4+s16], $0x10, s2, s16, $0xb8;
	[tilespmem:$0x7E00] =	vst v63  }
0x8f: {  	s28 =	simm.s32 $0x780  }
0x90: {  	[tilespmem:s28], [sflag:$0x3] =	stream.indirect.gather [hbm4b:s3+s16], $0x1, s16, s16, $0xb8;
	[tilespmem:$0x7E00] =	vst v63  }
0x91: {  	s28 =	simm.s32 $0x1600  }
0x92: {  	[tilespmem:s28], [sflag:$0x3] =	stream.indirect.gather [hbm4b:s4+s16], $0x10, s16, s16, $0xb8;
	[tilespmem:$0x7E00] =	vst v63  }
0x93: {  	s12 =	simm.s32 $0x100;
	s28 =	simm.s32 $0x800  }
0x94: {  	[tilespmem:s28], [sflag:$0x3] =	stream.indirect.gather [hbm4b:s3+s16], $0x1, s12, s16, $0xb8;
	[tilespmem:$0x7E00] =	vst v63  }
0x95: {  	s28 =	simm.s32 $0x1E00  }
0x96: {  	[tilespmem:s28], [sflag:$0x3] =	stream.indirect.gather [hbm4b:s4+s16], $0x10, s12, s16, $0xb8;
	[tilespmem:$0x7E00] =	vst v63  }
0x97: {  	s12 =	simm.s32 $0x180;
	s28 =	simm.s32 $0x880  }
0x98: {  	[tilespmem:s28], [sflag:$0x3] =	stream.indirect.gather [hbm4b:s3+s16], $0x1, s12, s16, $0xb8;
	[tilespmem:$0x7E00] =	vst v63  }
0x99: {  	s28 =	simm.s32 $0x2600  }
0x9a: {  	[tilespmem:s28], [sflag:$0x3] =	stream.indirect.gather [hbm4b:s4+s16], $0x10, s12, s16, $0xb8;
	[tilespmem:$0x7E00] =	vst v63  }
0x9b: {  	s12 =	simm.s32 $0x200;
	s28 =	simm.s32 $0x900  }
0x9c: {  	[tilespmem:s28], [sflag:$0x3] =	stream.indirect.gather [hbm4b:s3+s16], $0x1, s12, s16, $0xb8;
	[tilespmem:$0x7E00] =	vst v63  }
0x9d: {  	s28 =	simm.s32 $0x2E00  }
0x9e: {  	[tilespmem:s28], [sflag:$0x3] =	stream.indirect.gather [hbm4b:s4+s16], $0x10, s12, s16, $0xb8;
	[tilespmem:$0x7E00] =	vst v63  }
0x9f: {  	s28 =	simm.s32 $0x980  }
0xa0: {  	[tilespmem:s28], [sflag:$0x3] =	stream.indirect.gather [hbm4b:s3+s16], $0x1, s31, s16, $0xb8;
	[tilespmem:$0x7E00] =	vst v63  }
0xa1: {  	s28 =	simm.s32 $0x3600  }
0xa2: {  	[tilespmem:s28], [sflag:$0x3] =	stream.indirect.gather [hbm4b:s4+s16], $0x10, s31, s16, $0xb8;
	[tilespmem:$0x7E00] =	vst v63  }
0xa3: {  	s28 =	simm.s32 $0xA00  }
0xa4: {  	[tilespmem:s28], [sflag:$0x3] =	stream.indirect.gather [hbm4b:s3+s16], $0x1, s6, s16, $0xb8;
	[tilespmem:$0x7E00] =	vst v63  }
0xa5: {  	s28 =	simm.s32 $0x3E00  }
0xa6: {  	[tilespmem:s28], [sflag:$0x3] =	stream.indirect.gather [hbm4b:s4+s16], $0x10, s6, s16, $0xb8;
	[tilespmem:$0x7E00] =	vst v63  }
0xa7: {  	_ =	swait.ge [sflag:s10], $0x80  }
0xa8: {  	[sflag:s10] =	ssyncset.done $0x0  }
0xa9: {  	[sflag:s10] =	ssyncadd.s32 $0xFFFFFF80  }
0xaa: {  	_ =	swait.ge [sflag:s10], $0x800  }
0xab: {  	[sflag:s10] =	ssyncset.done $0x0  }
0xac: {  	[sflag:s10] =	ssyncadd.s32 $0xFFFFF800  }
0xad: {  	_ =	swait.ge [sflag:s10], $0x80  }
0xae: {  	[sflag:s10] =	ssyncset.done $0x0  }
0xaf: {  	[sflag:s10] =	ssyncadd.s32 $0xFFFFFF80  }
0xb0: {  	_ =	swait.ge [sflag:s10], $0x800  }
0xb1: {  	[sflag:s10] =	ssyncset.done $0x0  }
0xb2: {  	[sflag:s10] =	ssyncadd.s32 $0xFFFFF800  }
0xb3: {  	_ =	swait.ge [sflag:s10], $0x80  }
0xb4: {  	[sflag:s10] =	ssyncset.done $0x0  }
0xb5: {  	[sflag:s10] =	ssyncadd.s32 $0xFFFFFF80  }
0xb6: {  	_ =	swait.ge [sflag:s10], $0x800  }
0xb7: {  	[sflag:s10] =	ssyncset.done $0x0  }
0xb8: {  	[sflag:s10] =	ssyncadd.s32 $0xFFFFF800  }
0xb9: {  	_ =	swait.ge [sflag:s10], $0x80  }
0xba: {  	[sflag:s10] =	ssyncset.done $0x0  }
0xbb: {  	[sflag:s10] =	ssyncadd.s32 $0xFFFFFF80  }
0xbc: {  	_ =	swait.ge [sflag:s10], $0x800  }
0xbd: {  	[sflag:s10] =	ssyncset.done $0x0  }
0xbe: {  	[sflag:s10] =	ssyncadd.s32 $0xFFFFF800  }
0xbf: {  	_ =	swait.ge [sflag:s10], $0x80  }
0xc0: {  	[sflag:s10] =	ssyncset.done $0x0  }
0xc1: {  	[sflag:s10] =	ssyncadd.s32 $0xFFFFFF80  }
0xc2: {  	_ =	swait.ge [sflag:s10], $0x800  }
0xc3: {  	[sflag:s10] =	ssyncset.done $0x0  }
0xc4: {  	[sflag:s10] =	ssyncadd.s32 $0xFFFFF800  }
0xc5: {  	_ =	swait.ge [sflag:s10], $0x80  }
0xc6: {  	[sflag:s10] =	ssyncset.done $0x0  }
0xc7: {  	[sflag:s10] =	ssyncadd.s32 $0xFFFFFF80  }
0xc8: {  	_ =	swait.ge [sflag:s10], $0x800  }
0xc9: {  	[sflag:s10] =	ssyncset.done $0x0  }
0xca: {  	[sflag:s10] =	ssyncadd.s32 $0xFFFFF800  }
0xcb: {  	_ =	swait.ge [sflag:s10], $0x80  }
0xcc: {  	[sflag:s10] =	ssyncset.done $0x0  }
0xcd: {  	[sflag:s10] =	ssyncadd.s32 $0xFFFFFF80  }
0xce: {  	p1 =	sne.s32 s9, $0xB60;
	_ =	swait.ge [sflag:s10], $0x800  }
.Ltmp4:
0xcf: {  	[sflag:s10] =	ssyncset.done $0x0;
	(pc) =	sbr.rel @!p1 .LBB2_3-.Ltmp4, $4  }
0xd0: {  	s28 =	sadd.s32 s9, s13;
	[sflag:s10] =	ssyncadd.s32 $0xFFFFF800  }
0xd1: {  	[hbm4b:s28+s2] =	stream.linear.scatter [tilespmem:s21], [sflag:$0x5], $0x380, $0x38;
	[tilespmem:$0x7E00] =	vst v63  }
0xd2: {  	_ = 	snop  }
0xd3: {  	[hbm4b:s25+s2] =	stream.linear.scatter [tilespmem:s24], [sflag:$0x5], $0x3800, $0x38;
	[tilespmem:$0x7E00] =	vst v63  }
0xd4: {  	s12 =	sshrl.u32 s23, $0x3;
	s28 =	rddreg [dreg:$0x2]  }
0xd5: {  	s12 =	sadd.s32 s28, s12  }
0xd6: {  	[tilespmem:s2], [sflag:$0x1] =	stream.linear.gather [hbm4b:s12+s2], $0x380, $0x38;
	[tilespmem:$0x7E00] =	vst v63  }
.Ltmp5:
0xd7: {  	_ = 	snop;
	(pc) =	sbr.rel @!p0 .LBB2_5-.Ltmp5, $4  }
.Ltmp6:
0xd8: {  	s21 =	smov.u32 s18;
	(pc) =	sbr.rel @p0 .LBB2_6-.Ltmp6, $4  }
0xd9: {  	s18 =	smov.u32 s17;
	s17 =	smov.u32 s13;
	_ =	swait.ge [sflag:s11], $0x380  }
0xda: {  	s13 =	smov.u32 s17;
	s17 =	smov.u32 s18;
	[sflag:s11] =	ssyncset.done $0x0  }
0xdb: {  	s18 =	smov.u32 s21;
	s21 =	simm.s32 $0x700;
	[sflag:s11] =	ssyncadd.s32 $0xFFFFFC80  }
0xdc: {  	_ = 	snop  }
.LBB2_8:
0xdd: {  	_ =	sfence.sel $0x180000  }
0xde: {  	[bflag:$0x0] =	sbarrier.arrive $0xFFFF  }
0xdf: {  	_ =	strace $0x90000047  }
0xe0: {  	s0 =	stileid.u32;
	[bflag:$0x2] =	sbarrier.arrive $0xFFFF  }
0xe1: {  	p0 =	sne.s32 s0, $0x0;
	s0 =	rddreg [dreg:$0x1]  }
0xe2: {  	s0 =	sadd.s32 @!p0 $0x100000, s0  }
0xe3: {  	[sflag:s0] =	ssyncadd.tile.s32 @!p0 $0x1;
	_ =	shalt  }
.Lfunc_end2:
_tile_overlayer_lowered:
.L_overlay_start_2:
0xe4: {  	(tag) =	ssettag $0x2  }
0xe5: {  	s0 =	rddreg [dreg:$0x0];
	s2 =	stileid.u32  }
0xe6: {  	s1 =	rddreg [dreg:$0x1];
	p0 =	sne.s32 s2, $0x0  }
0xe7: {  	s3 =	rddreg [dreg:$0x2];
	[bflag:$0x3] =	sbarrier.arrive $0xFFFF;
	s2 =	simm.s32 @!p0 $0x1C07  }
0xe8: {  	[timem:s3], [sflag:s2] =	dma.local @!p0 [hbm:s0], s1  }
0xe9: {  	s0 =	simm.s32 @!p0 $0x7  }
0xea: {  	_ =	swait.ge @!p0 [sflag:s0], s1  }
0xeb: {  	s1 =	ssub.s32 @!p0 $0x0, s1;
	[sflag:s0] =	ssyncset.done @!p0 $0x0  }
0xec: {  	[sflag:s0] =	ssyncadd.s32 @!p0 s1  }
0xed: {  	[bflag:$0x3] =	sbarrier.arrive $0xFFFF  }
0xee: {  	_ =	shalt  }

</sc_bundles>
